<compile_context>
chip_gen: v7x
topology: tpu7x:2x2x1
jax: 0.10.2.dev20260603
libtpu: 0.0.44.dev20260713+nightly
codegen_flags: <defaults>
</compile_context>

<pallas_src>
import functools

import jax
import jax.numpy as jnp
from jax import lax
from jax.experimental import pallas as pl
from jax.experimental.pallas import tpu as pltpu
from jax.experimental.pallas import tpu_sc as plsc

VOCAB = 1000000
EMBED_DIM = 32
BATCH = 4096
HIST_LEN = 200

_GDIM = EMBED_DIM
_NUM_WORKERS = 32
_TOTAL = BATCH * HIST_LEN
_B_PER_W = _TOTAL // _NUM_WORKERS
_CHUNK = 1600
_NCHUNK = _B_PER_W // _CHUNK
_NSTREAM = 4
_SUB = _CHUNK // _NSTREAM


@functools.partial(
    pl.kernel,
    mesh=plsc.VectorSubcoreMesh(core_axis_name="c", subcore_axis_name="s"),
    out_type=jax.ShapeDtypeStruct((_TOTAL, _GDIM), jnp.float32),
    scratch_types=[
        pltpu.VMEM((_CHUNK,), jnp.int32),
        pltpu.VMEM((_CHUNK,), jnp.int32),
        pltpu.VMEM((_CHUNK, _GDIM), jnp.float32),
        pltpu.VMEM((_CHUNK, _GDIM), jnp.float32),
        pltpu.SemaphoreType.DMA,
        pltpu.SemaphoreType.DMA,
        pltpu.SemaphoreType.DMA,
        pltpu.SemaphoreType.DMA,
        pltpu.SemaphoreType.DMA,
        pltpu.SemaphoreType.DMA,
    ],
    compiler_params=pltpu.CompilerParams(use_tc_tiling_on_sc=False),
)
def _embed_gather(idx_hbm, table_hbm, out_hbm,
                  idx0, idx1, rows0, rows1, si0, si1, sg0, sg1, ss0, ss1):
    idx_v = (idx0, idx1)
    rows_v = (rows0, rows1)
    si = (si0, si1)
    sg = (sg0, sg1)
    ss = (ss0, ss1)

    wid = lax.axis_index("s") * 2 + lax.axis_index("c")
    wbase = wid * _B_PER_W

    def idx_slice(c):
        return idx_hbm.at[pl.ds(wbase + c * _CHUNK, _CHUNK)]

    def out_slice(c):
        return out_hbm.at[pl.ds(wbase + c * _CHUNK, _CHUNK)]

    def start_idx(c, b):
        pltpu.async_copy(idx_slice(c), idx_v[b], si[b])

    def wait_idx(b):
        pltpu.make_async_copy(idx_slice(0), idx_v[b], si[b]).wait()

    def start_gather(b):
        for g in range(_NSTREAM):
            pltpu.async_copy(
                table_hbm.at[idx_v[b].at[pl.ds(g * _SUB, _SUB)]],
                rows_v[b].at[pl.ds(g * _SUB, _SUB)],
                sg[b],
            )

    def wait_gather(b):
        for g in range(_NSTREAM):
            pltpu.make_async_copy(
                table_hbm.at[idx_v[b].at[pl.ds(g * _SUB, _SUB)]],
                rows_v[b].at[pl.ds(g * _SUB, _SUB)],
                sg[b],
            ).wait()

    def start_store(c, b):
        pltpu.async_copy(rows_v[b], out_slice(c), ss[b])

    def wait_store(b):
        pltpu.make_async_copy(rows_v[b], out_slice(0), ss[b]).wait()

    start_idx(0, 0)
    wait_idx(0)
    start_gather(0)
    start_idx(1, 1)
    wait_idx(1)
    start_gather(1)
    wait_gather(0)
    start_idx(2, 0)
    start_store(0, 0)

    def body(g, carry):
        for b in range(2):
            c = 2 * g + b
            ob = 1 - b
            wait_store(b)
            wait_idx(b)
            start_gather(b)
            wait_gather(ob)
            start_idx((c + 1) % _NCHUNK, ob)
            start_store(c - 1, ob)
        return carry

    lax.fori_loop(1, _NCHUNK // 2, body, 0)

    wait_gather(1)
    start_store(_NCHUNK - 1, 1)
    wait_idx(0)
    wait_store(0)
    wait_store(1)


def kernel(indices, table):
    flat_idx = indices.reshape(-1).astype(jnp.int32)
    out = _embed_gather(flat_idx, table)
    return out.reshape(BATCH, HIST_LEN, EMBED_DIM)

# --- scband reference (transcript-rebuilt; emitter-appended) ---
"""Pipeline reference for scband-embedding-layer-59072980189546 (READ-ONLY COPY).

The authoritative reference and input builder live on the scoring server;
editing this copy changes nothing except your own understanding.
"""

import jax, jax.numpy as jnp
import numpy as np

VOCAB = 1000000
EMBED_DIM = 32
BATCH = 4096
HIST_LEN = 200


def setup_inputs(seed: int = 0) -> dict:
    key = jax.random.key(seed)
    k_idx, k_tab = jax.random.split(key)
    indices = jax.random.randint(k_idx, (BATCH, HIST_LEN), 0, VOCAB, dtype=jnp.int64 if jax.config.jax_enable_x64 else jnp.int32)
    table = jax.random.normal(k_tab, (VOCAB, EMBED_DIM), dtype=jnp.float32) * 0.05
    return {"indices": indices, "table": table}


def reference(indices, table):
    # Keras Embedding forward: gather rows of the embedding table by integer indices.
    return jnp.take(table, indices, axis=0)

if __name__ == "__main__":
    import jax
    _d = setup_inputs()
    print(jax.jit(kernel)(*tuple(_d.values())))

</pallas_src>

<mosaic_0001>
#map = affine_map<(d0, d1) -> (0)>
#map1 = affine_map<(d0, d1) -> (0, 0)>
module attributes {stable_mosaic.version = 14 : i64} {
  func.func @_embed_gather(%arg0: i32, %arg1: i32, %arg2: memref<819200xi32, #tpu.memory_space<hbm>>, %arg3: memref<1000000x32xf32, #tpu.memory_space<hbm>>, %arg4: memref<819200x32xf32, #tpu.memory_space<hbm>>, %arg5: memref<1600xi32, #tpu.memory_space<vmem>>, %arg6: memref<1600xi32, #tpu.memory_space<vmem>>, %arg7: memref<1600x32xf32, #tpu.memory_space<vmem>>, %arg8: memref<1600x32xf32, #tpu.memory_space<vmem>>, %arg9: memref<!tpu.dma_semaphore, #tpu.memory_space<semaphore_mem>>, %arg10: memref<!tpu.dma_semaphore, #tpu.memory_space<semaphore_mem>>, %arg11: memref<!tpu.dma_semaphore, #tpu.memory_space<semaphore_mem>>, %arg12: memref<!tpu.dma_semaphore, #tpu.memory_space<semaphore_mem>>, %arg13: memref<!tpu.dma_semaphore, #tpu.memory_space<semaphore_mem>>, %arg14: memref<!tpu.dma_semaphore, #tpu.memory_space<semaphore_mem>>) attributes {dimension_semantics = [#tpu.dimension_semantics<core_parallel>, #tpu.dimension_semantics<subcore_parallel>], iteration_bounds = array<i64: 2, 16>, scalar_prefetch = 0 : i64, scratch_operands = 10 : i64, tpu.core_type = #tpu.core_type<sc_vector_subcore>, window_params = [{transform_indices = #map}, {transform_indices = #map1}, {transform_indices = #map1}]} {
    %mul3A = arith.constant 2 : i32
    %mul3A_0 = arith.muli %arg1, %mul3A : i32
    %add3A = arith.addi %mul3A_0, %arg0 : i32
    %mul3A_1 = arith.constant 25600 : i32
    %mul3A_2 = arith.muli %add3A, %mul3A_1 : i32
    %add3A_3 = arith.constant 0 : i32
    %add3A_4 = arith.addi %mul3A_2, %add3A_3 : i32
    %dma_start3A = tpu.memref_slice %arg2[%add3A_4] : memref<819200xi32, #tpu.memory_space<hbm>> -> memref<1600xi32, #tpu.memory_space<hbm>>
    %dma_start3A_5 = tpu.memref_slice %arg2[%add3A_4] : memref<819200xi32, #tpu.memory_space<hbm>> -> memref<1600xi32, #tpu.memory_space<hbm>>
    tpu.enqueue_dma source(%dma_start3A_5 : memref<1600xi32, #tpu.memory_space<hbm>>) target(%arg5 : memref<1600xi32, #tpu.memory_space<vmem>>) target_semaphore(%arg9 : memref<!tpu.dma_semaphore, #tpu.memory_space<semaphore_mem>>)
    %add3A_6 = arith.constant 0 : i32
    %add3A_7 = arith.addi %mul3A_2, %add3A_6 : i32
    %dma_wait3A = tpu.memref_slice %arg2[%add3A_7] : memref<819200xi32, #tpu.memory_space<hbm>> -> memref<1600xi32, #tpu.memory_space<hbm>>
    %dma_wait3A_8 = tpu.memref_slice %arg2[%add3A_7] : memref<819200xi32, #tpu.memory_space<hbm>> -> memref<1600xi32, #tpu.memory_space<hbm>>
    tpu.wait_dma2 semaphore(%arg9 : memref<!tpu.dma_semaphore, #tpu.memory_space<semaphore_mem>>) src(%dma_wait3A_8 : memref<1600xi32, #tpu.memory_space<hbm>>) dst(%arg5 : memref<1600xi32, #tpu.memory_space<vmem>>)
    %dma_start3A_9 = arith.constant 0 : i32
    %dma_start3A_10 = arith.constant 0 : i32
    %dma_start3A_11 = tpu.memref_slice %arg7[%dma_start3A_9, %dma_start3A_10] : memref<1600x32xf32, #tpu.memory_space<vmem>> -> memref<400x32xf32, #tpu.memory_space<vmem>>
    %dma_start3A_12 = arith.constant 0 : i32
    %dma_start3A_13 = tpu.memref_slice %arg5[%dma_start3A_12] : memref<1600xi32, #tpu.memory_space<vmem>> -> memref<400xi32, #tpu.memory_space<vmem>>
    %dma_start3A_14 = arith.constant 0 : i32
    %dma_start3A_15 = arith.constant 0 : i32
    %dma_start3A_16 = tpu.memref_slice %arg3[%dma_start3A_14, %dma_start3A_15] : memref<1000000x32xf32, #tpu.memory_space<hbm>> -> memref<1000000x32xf32, #tpu.memory_space<hbm>>
    tpu.enqueue_indirect_dma source(%dma_start3A_16 : memref<1000000x32xf32, #tpu.memory_space<hbm>>) target(%dma_start3A_11 : memref<400x32xf32, #tpu.memory_space<vmem>>) offsets(%dma_start3A_13 : memref<400xi32, #tpu.memory_space<vmem>>) semaphore(%arg11 : memref<!tpu.dma_semaphore, #tpu.memory_space<semaphore_mem>>)
    %dma_start3A_17 = arith.constant 400 : i32
    %dma_start3A_18 = arith.constant 0 : i32
    %dma_start3A_19 = tpu.memref_slice %arg7[%dma_start3A_17, %dma_start3A_18] : memref<1600x32xf32, #tpu.memory_space<vmem>> -> memref<400x32xf32, #tpu.memory_space<vmem>>
    %dma_start3A_20 = arith.constant 400 : i32
    %dma_start3A_21 = tpu.memref_slice %arg5[%dma_start3A_20] : memref<1600xi32, #tpu.memory_space<vmem>> -> memref<400xi32, #tpu.memory_space<vmem>>
    %dma_start3A_22 = arith.constant 0 : i32
    %dma_start3A_23 = arith.constant 0 : i32
    %dma_start3A_24 = tpu.memref_slice %arg3[%dma_start3A_22, %dma_start3A_23] : memref<1000000x32xf32, #tpu.memory_space<hbm>> -> memref<1000000x32xf32, #tpu.memory_space<hbm>>
    tpu.enqueue_indirect_dma source(%dma_start3A_24 : memref<1000000x32xf32, #tpu.memory_space<hbm>>) target(%dma_start3A_19 : memref<400x32xf32, #tpu.memory_space<vmem>>) offsets(%dma_start3A_21 : memref<400xi32, #tpu.memory_space<vmem>>) semaphore(%arg11 : memref<!tpu.dma_semaphore, #tpu.memory_space<semaphore_mem>>)
    %dma_start3A_25 = arith.constant 800 : i32
    %dma_start3A_26 = arith.constant 0 : i32
    %dma_start3A_27 = tpu.memref_slice %arg7[%dma_start3A_25, %dma_start3A_26] : memref<1600x32xf32, #tpu.memory_space<vmem>> -> memref<400x32xf32, #tpu.memory_space<vmem>>
    %dma_start3A_28 = arith.constant 800 : i32
    %dma_start3A_29 = tpu.memref_slice %arg5[%dma_start3A_28] : memref<1600xi32, #tpu.memory_space<vmem>> -> memref<400xi32, #tpu.memory_space<vmem>>
    %dma_start3A_30 = arith.constant 0 : i32
    %dma_start3A_31 = arith.constant 0 : i32
    %dma_start3A_32 = tpu.memref_slice %arg3[%dma_start3A_30, %dma_start3A_31] : memref<1000000x32xf32, #tpu.memory_space<hbm>> -> memref<1000000x32xf32, #tpu.memory_space<hbm>>
    tpu.enqueue_indirect_dma source(%dma_start3A_32 : memref<1000000x32xf32, #tpu.memory_space<hbm>>) target(%dma_start3A_27 : memref<400x32xf32, #tpu.memory_space<vmem>>) offsets(%dma_start3A_29 : memref<400xi32, #tpu.memory_space<vmem>>) semaphore(%arg11 : memref<!tpu.dma_semaphore, #tpu.memory_space<semaphore_mem>>)
    %dma_start3A_33 = arith.constant 1200 : i32
    %dma_start3A_34 = arith.constant 0 : i32
    %dma_start3A_35 = tpu.memref_slice %arg7[%dma_start3A_33, %dma_start3A_34] : memref<1600x32xf32, #tpu.memory_space<vmem>> -> memref<400x32xf32, #tpu.memory_space<vmem>>
    %dma_start3A_36 = arith.constant 1200 : i32
    %dma_start3A_37 = tpu.memref_slice %arg5[%dma_start3A_36] : memref<1600xi32, #tpu.memory_space<vmem>> -> memref<400xi32, #tpu.memory_space<vmem>>
    %dma_start3A_38 = arith.constant 0 : i32
    %dma_start3A_39 = arith.constant 0 : i32
    %dma_start3A_40 = tpu.memref_slice %arg3[%dma_start3A_38, %dma_start3A_39] : memref<1000000x32xf32, #tpu.memory_space<hbm>> -> memref<1000000x32xf32, #tpu.memory_space<hbm>>
    tpu.enqueue_indirect_dma source(%dma_start3A_40 : memref<1000000x32xf32, #tpu.memory_space<hbm>>) target(%dma_start3A_35 : memref<400x32xf32, #tpu.memory_space<vmem>>) offsets(%dma_start3A_37 : memref<400xi32, #tpu.memory_space<vmem>>) semaphore(%arg11 : memref<!tpu.dma_semaphore, #tpu.memory_space<semaphore_mem>>)
    %add3A_41 = arith.constant 1600 : i32
    %add3A_42 = arith.addi %mul3A_2, %add3A_41 : i32
    %dma_start3A_43 = tpu.memref_slice %arg2[%add3A_42] : memref<819200xi32, #tpu.memory_space<hbm>> -> memref<1600xi32, #tpu.memory_space<hbm>>
    %dma_start3A_44 = tpu.memref_slice %arg2[%add3A_42] : memref<819200xi32, #tpu.memory_space<hbm>> -> memref<1600xi32, #tpu.memory_space<hbm>>
    tpu.enqueue_dma source(%dma_start3A_44 : memref<1600xi32, #tpu.memory_space<hbm>>) target(%arg6 : memref<1600xi32, #tpu.memory_space<vmem>>) target_semaphore(%arg10 : memref<!tpu.dma_semaphore, #tpu.memory_space<semaphore_mem>>)
    %add3A_45 = arith.constant 0 : i32
    %add3A_46 = arith.addi %mul3A_2, %add3A_45 : i32
    %dma_wait3A_47 = tpu.memref_slice %arg2[%add3A_46] : memref<819200xi32, #tpu.memory_space<hbm>> -> memref<1600xi32, #tpu.memory_space<hbm>>
    %dma_wait3A_48 = tpu.memref_slice %arg2[%add3A_46] : memref<819200xi32, #tpu.memory_space<hbm>> -> memref<1600xi32, #tpu.memory_space<hbm>>
    tpu.wait_dma2 semaphore(%arg10 : memref<!tpu.dma_semaphore, #tpu.memory_space<semaphore_mem>>) src(%dma_wait3A_48 : memref<1600xi32, #tpu.memory_space<hbm>>) dst(%arg6 : memref<1600xi32, #tpu.memory_space<vmem>>)
    %dma_start3A_49 = arith.constant 0 : i32
    %dma_start3A_50 = arith.constant 0 : i32
    %dma_start3A_51 = tpu.memref_slice %arg8[%dma_start3A_49, %dma_start3A_50] : memref<1600x32xf32, #tpu.memory_space<vmem>> -> memref<400x32xf32, #tpu.memory_space<vmem>>
    %dma_start3A_52 = arith.constant 0 : i32
    %dma_start3A_53 = tpu.memref_slice %arg6[%dma_start3A_52] : memref<1600xi32, #tpu.memory_space<vmem>> -> memref<400xi32, #tpu.memory_space<vmem>>
    %dma_start3A_54 = arith.constant 0 : i32
    %dma_start3A_55 = arith.constant 0 : i32
    %dma_start3A_56 = tpu.memref_slice %arg3[%dma_start3A_54, %dma_start3A_55] : memref<1000000x32xf32, #tpu.memory_space<hbm>> -> memref<1000000x32xf32, #tpu.memory_space<hbm>>
    tpu.enqueue_indirect_dma source(%dma_start3A_56 : memref<1000000x32xf32, #tpu.memory_space<hbm>>) target(%dma_start3A_51 : memref<400x32xf32, #tpu.memory_space<vmem>>) offsets(%dma_start3A_53 : memref<400xi32, #tpu.memory_space<vmem>>) semaphore(%arg12 : memref<!tpu.dma_semaphore, #tpu.memory_space<semaphore_mem>>)
    %dma_start3A_57 = arith.constant 400 : i32
    %dma_start3A_58 = arith.constant 0 : i32
    %dma_start3A_59 = tpu.memref_slice %arg8[%dma_start3A_57, %dma_start3A_58] : memref<1600x32xf32, #tpu.memory_space<vmem>> -> memref<400x32xf32, #tpu.memory_space<vmem>>
    %dma_start3A_60 = arith.constant 400 : i32
    %dma_start3A_61 = tpu.memref_slice %arg6[%dma_start3A_60] : memref<1600xi32, #tpu.memory_space<vmem>> -> memref<400xi32, #tpu.memory_space<vmem>>
    %dma_start3A_62 = arith.constant 0 : i32
    %dma_start3A_63 = arith.constant 0 : i32
    %dma_start3A_64 = tpu.memref_slice %arg3[%dma_start3A_62, %dma_start3A_63] : memref<1000000x32xf32, #tpu.memory_space<hbm>> -> memref<1000000x32xf32, #tpu.memory_space<hbm>>
    tpu.enqueue_indirect_dma source(%dma_start3A_64 : memref<1000000x32xf32, #tpu.memory_space<hbm>>) target(%dma_start3A_59 : memref<400x32xf32, #tpu.memory_space<vmem>>) offsets(%dma_start3A_61 : memref<400xi32, #tpu.memory_space<vmem>>) semaphore(%arg12 : memref<!tpu.dma_semaphore, #tpu.memory_space<semaphore_mem>>)
    %dma_start3A_65 = arith.constant 800 : i32
    %dma_start3A_66 = arith.constant 0 : i32
    %dma_start3A_67 = tpu.memref_slice %arg8[%dma_start3A_65, %dma_start3A_66] : memref<1600x32xf32, #tpu.memory_space<vmem>> -> memref<400x32xf32, #tpu.memory_space<vmem>>
    %dma_start3A_68 = arith.constant 800 : i32
    %dma_start3A_69 = tpu.memref_slice %arg6[%dma_start3A_68] : memref<1600xi32, #tpu.memory_space<vmem>> -> memref<400xi32, #tpu.memory_space<vmem>>
    %dma_start3A_70 = arith.constant 0 : i32
    %dma_start3A_71 = arith.constant 0 : i32
    %dma_start3A_72 = tpu.memref_slice %arg3[%dma_start3A_70, %dma_start3A_71] : memref<1000000x32xf32, #tpu.memory_space<hbm>> -> memref<1000000x32xf32, #tpu.memory_space<hbm>>
    tpu.enqueue_indirect_dma source(%dma_start3A_72 : memref<1000000x32xf32, #tpu.memory_space<hbm>>) target(%dma_start3A_67 : memref<400x32xf32, #tpu.memory_space<vmem>>) offsets(%dma_start3A_69 : memref<400xi32, #tpu.memory_space<vmem>>) semaphore(%arg12 : memref<!tpu.dma_semaphore, #tpu.memory_space<semaphore_mem>>)
    %dma_start3A_73 = arith.constant 1200 : i32
    %dma_start3A_74 = arith.constant 0 : i32
    %dma_start3A_75 = tpu.memref_slice %arg8[%dma_start3A_73, %dma_start3A_74] : memref<1600x32xf32, #tpu.memory_space<vmem>> -> memref<400x32xf32, #tpu.memory_space<vmem>>
    %dma_start3A_76 = arith.constant 1200 : i32
    %dma_start3A_77 = tpu.memref_slice %arg6[%dma_start3A_76] : memref<1600xi32, #tpu.memory_space<vmem>> -> memref<400xi32, #tpu.memory_space<vmem>>
    %dma_start3A_78 = arith.constant 0 : i32
    %dma_start3A_79 = arith.constant 0 : i32
    %dma_start3A_80 = tpu.memref_slice %arg3[%dma_start3A_78, %dma_start3A_79] : memref<1000000x32xf32, #tpu.memory_space<hbm>> -> memref<1000000x32xf32, #tpu.memory_space<hbm>>
    tpu.enqueue_indirect_dma source(%dma_start3A_80 : memref<1000000x32xf32, #tpu.memory_space<hbm>>) target(%dma_start3A_75 : memref<400x32xf32, #tpu.memory_space<vmem>>) offsets(%dma_start3A_77 : memref<400xi32, #tpu.memory_space<vmem>>) semaphore(%arg12 : memref<!tpu.dma_semaphore, #tpu.memory_space<semaphore_mem>>)
    %dma_wait3A_81 = arith.constant 0 : i32
    %dma_wait3A_82 = arith.constant 0 : i32
    %dma_wait3A_83 = tpu.memref_slice %arg7[%dma_wait3A_81, %dma_wait3A_82] : memref<1600x32xf32, #tpu.memory_space<vmem>> -> memref<400x32xf32, #tpu.memory_space<vmem>>
    %dma_wait3A_84 = arith.constant 0 : i32
    %dma_wait3A_85 = tpu.memref_slice %arg5[%dma_wait3A_84] : memref<1600xi32, #tpu.memory_space<vmem>> -> memref<400xi32, #tpu.memory_space<vmem>>
    %dma_wait3A_86 = arith.constant 0 : i32
    %dma_wait3A_87 = arith.constant 0 : i32
    %dma_wait3A_88 = tpu.memref_slice %arg3[%dma_wait3A_86, %dma_wait3A_87] : memref<1000000x32xf32, #tpu.memory_space<hbm>> -> memref<1000000x32xf32, #tpu.memory_space<hbm>>
    tpu.wait_indirect_dma semaphore(%arg11 : memref<!tpu.dma_semaphore, #tpu.memory_space<semaphore_mem>>) src(%dma_wait3A_88 : memref<1000000x32xf32, #tpu.memory_space<hbm>>) dst(%dma_wait3A_83 : memref<400x32xf32, #tpu.memory_space<vmem>>)
    %dma_wait3A_89 = arith.constant 400 : i32
    %dma_wait3A_90 = arith.constant 0 : i32
    %dma_wait3A_91 = tpu.memref_slice %arg7[%dma_wait3A_89, %dma_wait3A_90] : memref<1600x32xf32, #tpu.memory_space<vmem>> -> memref<400x32xf32, #tpu.memory_space<vmem>>
    %dma_wait3A_92 = arith.constant 400 : i32
    %dma_wait3A_93 = tpu.memref_slice %arg5[%dma_wait3A_92] : memref<1600xi32, #tpu.memory_space<vmem>> -> memref<400xi32, #tpu.memory_space<vmem>>
    %dma_wait3A_94 = arith.constant 0 : i32
    %dma_wait3A_95 = arith.constant 0 : i32
    %dma_wait3A_96 = tpu.memref_slice %arg3[%dma_wait3A_94, %dma_wait3A_95] : memref<1000000x32xf32, #tpu.memory_space<hbm>> -> memref<1000000x32xf32, #tpu.memory_space<hbm>>
    tpu.wait_indirect_dma semaphore(%arg11 : memref<!tpu.dma_semaphore, #tpu.memory_space<semaphore_mem>>) src(%dma_wait3A_96 : memref<1000000x32xf32, #tpu.memory_space<hbm>>) dst(%dma_wait3A_91 : memref<400x32xf32, #tpu.memory_space<vmem>>)
    %dma_wait3A_97 = arith.constant 800 : i32
    %dma_wait3A_98 = arith.constant 0 : i32
    %dma_wait3A_99 = tpu.memref_slice %arg7[%dma_wait3A_97, %dma_wait3A_98] : memref<1600x32xf32, #tpu.memory_space<vmem>> -> memref<400x32xf32, #tpu.memory_space<vmem>>
    %dma_wait3A_100 = arith.constant 800 : i32
    %dma_wait3A_101 = tpu.memref_slice %arg5[%dma_wait3A_100] : memref<1600xi32, #tpu.memory_space<vmem>> -> memref<400xi32, #tpu.memory_space<vmem>>
    %dma_wait3A_102 = arith.constant 0 : i32
    %dma_wait3A_103 = arith.constant 0 : i32
    %dma_wait3A_104 = tpu.memref_slice %arg3[%dma_wait3A_102, %dma_wait3A_103] : memref<1000000x32xf32, #tpu.memory_space<hbm>> -> memref<1000000x32xf32, #tpu.memory_space<hbm>>
    tpu.wait_indirect_dma semaphore(%arg11 : memref<!tpu.dma_semaphore, #tpu.memory_space<semaphore_mem>>) src(%dma_wait3A_104 : memref<1000000x32xf32, #tpu.memory_space<hbm>>) dst(%dma_wait3A_99 : memref<400x32xf32, #tpu.memory_space<vmem>>)
    %dma_wait3A_105 = arith.constant 1200 : i32
    %dma_wait3A_106 = arith.constant 0 : i32
    %dma_wait3A_107 = tpu.memref_slice %arg7[%dma_wait3A_105, %dma_wait3A_106] : memref<1600x32xf32, #tpu.memory_space<vmem>> -> memref<400x32xf32, #tpu.memory_space<vmem>>
    %dma_wait3A_108 = arith.constant 1200 : i32
    %dma_wait3A_109 = tpu.memref_slice %arg5[%dma_wait3A_108] : memref<1600xi32, #tpu.memory_space<vmem>> -> memref<400xi32, #tpu.memory_space<vmem>>
    %dma_wait3A_110 = arith.constant 0 : i32
    %dma_wait3A_111 = arith.constant 0 : i32
    %dma_wait3A_112 = tpu.memref_slice %arg3[%dma_wait3A_110, %dma_wait3A_111] : memref<1000000x32xf32, #tpu.memory_space<hbm>> -> memref<1000000x32xf32, #tpu.memory_space<hbm>>
    tpu.wait_indirect_dma semaphore(%arg11 : memref<!tpu.dma_semaphore, #tpu.memory_space<semaphore_mem>>) src(%dma_wait3A_112 : memref<1000000x32xf32, #tpu.memory_space<hbm>>) dst(%dma_wait3A_107 : memref<400x32xf32, #tpu.memory_space<vmem>>)
    %add3A_113 = arith.constant 3200 : i32
    %add3A_114 = arith.addi %mul3A_2, %add3A_113 : i32
    %dma_start3A_115 = tpu.memref_slice %arg2[%add3A_114] : memref<819200xi32, #tpu.memory_space<hbm>> -> memref<1600xi32, #tpu.memory_space<hbm>>
    %dma_start3A_116 = tpu.memref_slice %arg2[%add3A_114] : memref<819200xi32, #tpu.memory_space<hbm>> -> memref<1600xi32, #tpu.memory_space<hbm>>
    tpu.enqueue_dma source(%dma_start3A_116 : memref<1600xi32, #tpu.memory_space<hbm>>) target(%arg5 : memref<1600xi32, #tpu.memory_space<vmem>>) target_semaphore(%arg9 : memref<!tpu.dma_semaphore, #tpu.memory_space<semaphore_mem>>)
    %add3A_117 = arith.constant 0 : i32
    %add3A_118 = arith.addi %mul3A_2, %add3A_117 : i32
    %dma_start3A_119 = arith.constant 0 : i32
    %dma_start3A_120 = tpu.memref_slice %arg4[%add3A_118, %dma_start3A_119] : memref<819200x32xf32, #tpu.memory_space<hbm>> -> memref<1600x32xf32, #tpu.memory_space<hbm>>
    %dma_start3A_121 = arith.constant 0 : i32
    %dma_start3A_122 = tpu.memref_slice %arg4[%add3A_118, %dma_start3A_121] : memref<819200x32xf32, #tpu.memory_space<hbm>> -> memref<1600x32xf32, #tpu.memory_space<hbm>>
    tpu.enqueue_dma source(%arg7 : memref<1600x32xf32, #tpu.memory_space<vmem>>) target(%dma_start3A_122 : memref<1600x32xf32, #tpu.memory_space<hbm>>) target_semaphore(%arg13 : memref<!tpu.dma_semaphore, #tpu.memory_space<semaphore_mem>>)
    %scan3A = arith.constant 0 : i32
    %scan3A_123 = arith.constant 1 : i32
    %scan3A_124 = arith.constant 7 : i32
    %scan3A_125 = arith.addi %scan3A_123, %scan3A_124 : i32
    %scan3A_126 = arith.constant 1 : i32
    scf.for %scan3A_182 = %scan3A_123 to %scan3A_125 step %scan3A_126  : i32 {
      %mul3A_183 = arith.constant 2 : i32
      %mul3A_184 = arith.muli %mul3A_183, %scan3A_182 : i32
      %add3A_185 = arith.constant 0 : i32
      %add3A_186 = arith.addi %mul3A_184, %add3A_185 : i32
      %add3A_187 = arith.constant 0 : i32
      %add3A_188 = arith.addi %mul3A_2, %add3A_187 : i32
      %dma_wait3A_189 = arith.constant 0 : i32
      %dma_wait3A_190 = tpu.memref_slice %arg4[%add3A_188, %dma_wait3A_189] : memref<819200x32xf32, #tpu.memory_space<hbm>> -> memref<1600x32xf32, #tpu.memory_space<hbm>>
      %dma_wait3A_191 = arith.constant 0 : i32
      %dma_wait3A_192 = tpu.memref_slice %arg4[%add3A_188, %dma_wait3A_191] : memref<819200x32xf32, #tpu.memory_space<hbm>> -> memref<1600x32xf32, #tpu.memory_space<hbm>>
      tpu.wait_dma2 semaphore(%arg13 : memref<!tpu.dma_semaphore, #tpu.memory_space<semaphore_mem>>) src(%arg7 : memref<1600x32xf32, #tpu.memory_space<vmem>>) dst(%dma_wait3A_192 : memref<1600x32xf32, #tpu.memory_space<hbm>>)
      %add3A_193 = arith.constant 0 : i32
      %add3A_194 = arith.addi %mul3A_2, %add3A_193 : i32
      %dma_wait3A_195 = tpu.memref_slice %arg2[%add3A_194] : memref<819200xi32, #tpu.memory_space<hbm>> -> memref<1600xi32, #tpu.memory_space<hbm>>
      %dma_wait3A_196 = tpu.memref_slice %arg2[%add3A_194] : memref<819200xi32, #tpu.memory_space<hbm>> -> memref<1600xi32, #tpu.memory_space<hbm>>
      tpu.wait_dma2 semaphore(%arg9 : memref<!tpu.dma_semaphore, #tpu.memory_space<semaphore_mem>>) src(%dma_wait3A_196 : memref<1600xi32, #tpu.memory_space<hbm>>) dst(%arg5 : memref<1600xi32, #tpu.memory_space<vmem>>)
      %dma_start3A_197 = arith.constant 0 : i32
      %dma_start3A_198 = arith.constant 0 : i32
      %dma_start3A_199 = tpu.memref_slice %arg7[%dma_start3A_197, %dma_start3A_198] : memref<1600x32xf32, #tpu.memory_space<vmem>> -> memref<400x32xf32, #tpu.memory_space<vmem>>
      %dma_start3A_200 = arith.constant 0 : i32
      %dma_start3A_201 = tpu.memref_slice %arg5[%dma_start3A_200] : memref<1600xi32, #tpu.memory_space<vmem>> -> memref<400xi32, #tpu.memory_space<vmem>>
      %dma_start3A_202 = arith.constant 0 : i32
      %dma_start3A_203 = arith.constant 0 : i32
      %dma_start3A_204 = tpu.memref_slice %arg3[%dma_start3A_202, %dma_start3A_203] : memref<1000000x32xf32, #tpu.memory_space<hbm>> -> memref<1000000x32xf32, #tpu.memory_space<hbm>>
      tpu.enqueue_indirect_dma source(%dma_start3A_204 : memref<1000000x32xf32, #tpu.memory_space<hbm>>) target(%dma_start3A_199 : memref<400x32xf32, #tpu.memory_space<vmem>>) offsets(%dma_start3A_201 : memref<400xi32, #tpu.memory_space<vmem>>) semaphore(%arg11 : memref<!tpu.dma_semaphore, #tpu.memory_space<semaphore_mem>>)
      %dma_start3A_205 = arith.constant 400 : i32
      %dma_start3A_206 = arith.constant 0 : i32
      %dma_start3A_207 = tpu.memref_slice %arg7[%dma_start3A_205, %dma_start3A_206] : memref<1600x32xf32, #tpu.memory_space<vmem>> -> memref<400x32xf32, #tpu.memory_space<vmem>>
      %dma_start3A_208 = arith.constant 400 : i32
      %dma_start3A_209 = tpu.memref_slice %arg5[%dma_start3A_208] : memref<1600xi32, #tpu.memory_space<vmem>> -> memref<400xi32, #tpu.memory_space<vmem>>
      %dma_start3A_210 = arith.constant 0 : i32
      %dma_start3A_211 = arith.constant 0 : i32
      %dma_start3A_212 = tpu.memref_slice %arg3[%dma_start3A_210, %dma_start3A_211] : memref<1000000x32xf32, #tpu.memory_space<hbm>> -> memref<1000000x32xf32, #tpu.memory_space<hbm>>
      tpu.enqueue_indirect_dma source(%dma_start3A_212 : memref<1000000x32xf32, #tpu.memory_space<hbm>>) target(%dma_start3A_207 : memref<400x32xf32, #tpu.memory_space<vmem>>) offsets(%dma_start3A_209 : memref<400xi32, #tpu.memory_space<vmem>>) semaphore(%arg11 : memref<!tpu.dma_semaphore, #tpu.memory_space<semaphore_mem>>)
      %dma_start3A_213 = arith.constant 800 : i32
      %dma_start3A_214 = arith.constant 0 : i32
      %dma_start3A_215 = tpu.memref_slice %arg7[%dma_start3A_213, %dma_start3A_214] : memref<1600x32xf32, #tpu.memory_space<vmem>> -> memref<400x32xf32, #tpu.memory_space<vmem>>
      %dma_start3A_216 = arith.constant 800 : i32
      %dma_start3A_217 = tpu.memref_slice %arg5[%dma_start3A_216] : memref<1600xi32, #tpu.memory_space<vmem>> -> memref<400xi32, #tpu.memory_space<vmem>>
      %dma_start3A_218 = arith.constant 0 : i32
      %dma_start3A_219 = arith.constant 0 : i32
      %dma_start3A_220 = tpu.memref_slice %arg3[%dma_start3A_218, %dma_start3A_219] : memref<1000000x32xf32, #tpu.memory_space<hbm>> -> memref<1000000x32xf32, #tpu.memory_space<hbm>>
      tpu.enqueue_indirect_dma source(%dma_start3A_220 : memref<1000000x32xf32, #tpu.memory_space<hbm>>) target(%dma_start3A_215 : memref<400x32xf32, #tpu.memory_space<vmem>>) offsets(%dma_start3A_217 : memref<400xi32, #tpu.memory_space<vmem>>) semaphore(%arg11 : memref<!tpu.dma_semaphore, #tpu.memory_space<semaphore_mem>>)
      %dma_start3A_221 = arith.constant 1200 : i32
      %dma_start3A_222 = arith.constant 0 : i32
      %dma_start3A_223 = tpu.memref_slice %arg7[%dma_start3A_221, %dma_start3A_222] : memref<1600x32xf32, #tpu.memory_space<vmem>> -> memref<400x32xf32, #tpu.memory_space<vmem>>
      %dma_start3A_224 = arith.constant 1200 : i32
      %dma_start3A_225 = tpu.memref_slice %arg5[%dma_start3A_224] : memref<1600xi32, #tpu.memory_space<vmem>> -> memref<400xi32, #tpu.memory_space<vmem>>
      %dma_start3A_226 = arith.constant 0 : i32
      %dma_start3A_227 = arith.constant 0 : i32
      %dma_start3A_228 = tpu.memref_slice %arg3[%dma_start3A_226, %dma_start3A_227] : memref<1000000x32xf32, #tpu.memory_space<hbm>> -> memref<1000000x32xf32, #tpu.memory_space<hbm>>
      tpu.enqueue_indirect_dma source(%dma_start3A_228 : memref<1000000x32xf32, #tpu.memory_space<hbm>>) target(%dma_start3A_223 : memref<400x32xf32, #tpu.memory_space<vmem>>) offsets(%dma_start3A_225 : memref<400xi32, #tpu.memory_space<vmem>>) semaphore(%arg11 : memref<!tpu.dma_semaphore, #tpu.memory_space<semaphore_mem>>)
      %dma_wait3A_229 = arith.constant 0 : i32
      %dma_wait3A_230 = arith.constant 0 : i32
      %dma_wait3A_231 = tpu.memref_slice %arg8[%dma_wait3A_229, %dma_wait3A_230] : memref<1600x32xf32, #tpu.memory_space<vmem>> -> memref<400x32xf32, #tpu.memory_space<vmem>>
      %dma_wait3A_232 = arith.constant 0 : i32
      %dma_wait3A_233 = tpu.memref_slice %arg6[%dma_wait3A_232] : memref<1600xi32, #tpu.memory_space<vmem>> -> memref<400xi32, #tpu.memory_space<vmem>>
      %dma_wait3A_234 = arith.constant 0 : i32
      %dma_wait3A_235 = arith.constant 0 : i32
      %dma_wait3A_236 = tpu.memref_slice %arg3[%dma_wait3A_234, %dma_wait3A_235] : memref<1000000x32xf32, #tpu.memory_space<hbm>> -> memref<1000000x32xf32, #tpu.memory_space<hbm>>
      tpu.wait_indirect_dma semaphore(%arg12 : memref<!tpu.dma_semaphore, #tpu.memory_space<semaphore_mem>>) src(%dma_wait3A_236 : memref<1000000x32xf32, #tpu.memory_space<hbm>>) dst(%dma_wait3A_231 : memref<400x32xf32, #tpu.memory_space<vmem>>)
      %dma_wait3A_237 = arith.constant 400 : i32
      %dma_wait3A_238 = arith.constant 0 : i32
      %dma_wait3A_239 = tpu.memref_slice %arg8[%dma_wait3A_237, %dma_wait3A_238] : memref<1600x32xf32, #tpu.memory_space<vmem>> -> memref<400x32xf32, #tpu.memory_space<vmem>>
      %dma_wait3A_240 = arith.constant 400 : i32
      %dma_wait3A_241 = tpu.memref_slice %arg6[%dma_wait3A_240] : memref<1600xi32, #tpu.memory_space<vmem>> -> memref<400xi32, #tpu.memory_space<vmem>>
      %dma_wait3A_242 = arith.constant 0 : i32
      %dma_wait3A_243 = arith.constant 0 : i32
      %dma_wait3A_244 = tpu.memref_slice %arg3[%dma_wait3A_242, %dma_wait3A_243] : memref<1000000x32xf32, #tpu.memory_space<hbm>> -> memref<1000000x32xf32, #tpu.memory_space<hbm>>
      tpu.wait_indirect_dma semaphore(%arg12 : memref<!tpu.dma_semaphore, #tpu.memory_space<semaphore_mem>>) src(%dma_wait3A_244 : memref<1000000x32xf32, #tpu.memory_space<hbm>>) dst(%dma_wait3A_239 : memref<400x32xf32, #tpu.memory_space<vmem>>)
      %dma_wait3A_245 = arith.constant 800 : i32
      %dma_wait3A_246 = arith.constant 0 : i32
      %dma_wait3A_247 = tpu.memref_slice %arg8[%dma_wait3A_245, %dma_wait3A_246] : memref<1600x32xf32, #tpu.memory_space<vmem>> -> memref<400x32xf32, #tpu.memory_space<vmem>>
      %dma_wait3A_248 = arith.constant 800 : i32
      %dma_wait3A_249 = tpu.memref_slice %arg6[%dma_wait3A_248] : memref<1600xi32, #tpu.memory_space<vmem>> -> memref<400xi32, #tpu.memory_space<vmem>>
      %dma_wait3A_250 = arith.constant 0 : i32
      %dma_wait3A_251 = arith.constant 0 : i32
      %dma_wait3A_252 = tpu.memref_slice %arg3[%dma_wait3A_250, %dma_wait3A_251] : memref<1000000x32xf32, #tpu.memory_space<hbm>> -> memref<1000000x32xf32, #tpu.memory_space<hbm>>
      tpu.wait_indirect_dma semaphore(%arg12 : memref<!tpu.dma_semaphore, #tpu.memory_space<semaphore_mem>>) src(%dma_wait3A_252 : memref<1000000x32xf32, #tpu.memory_space<hbm>>) dst(%dma_wait3A_247 : memref<400x32xf32, #tpu.memory_space<vmem>>)
      %dma_wait3A_253 = arith.constant 1200 : i32
      %dma_wait3A_254 = arith.constant 0 : i32
      %dma_wait3A_255 = tpu.memref_slice %arg8[%dma_wait3A_253, %dma_wait3A_254] : memref<1600x32xf32, #tpu.memory_space<vmem>> -> memref<400x32xf32, #tpu.memory_space<vmem>>
      %dma_wait3A_256 = arith.constant 1200 : i32
      %dma_wait3A_257 = tpu.memref_slice %arg6[%dma_wait3A_256] : memref<1600xi32, #tpu.memory_space<vmem>> -> memref<400xi32, #tpu.memory_space<vmem>>
      %dma_wait3A_258 = arith.constant 0 : i32
      %dma_wait3A_259 = arith.constant 0 : i32
      %dma_wait3A_260 = tpu.memref_slice %arg3[%dma_wait3A_258, %dma_wait3A_259] : memref<1000000x32xf32, #tpu.memory_space<hbm>> -> memref<1000000x32xf32, #tpu.memory_space<hbm>>
      tpu.wait_indirect_dma semaphore(%arg12 : memref<!tpu.dma_semaphore, #tpu.memory_space<semaphore_mem>>) src(%dma_wait3A_260 : memref<1000000x32xf32, #tpu.memory_space<hbm>>) dst(%dma_wait3A_255 : memref<400x32xf32, #tpu.memory_space<vmem>>)
      %add3A_261 = arith.constant 1 : i32
      %add3A_262 = arith.addi %add3A_186, %add3A_261 : i32
      %jit3A = arith.constant 16 : i32
      %eq3A = arith.constant 0 : i32
      %eq3A_263 = arith.cmpi eq, %jit3A, %eq3A : i32
      %jit3A_264 = arith.constant 1 : i32
      %select_n3A = arith.select %eq3A_263, %jit3A_264, %jit3A : i32
      %rem3A = arith.remsi %add3A_262, %select_n3A : i32
      %ne3A = arith.constant 0 : i32
      %ne3A_265 = arith.cmpi ne, %rem3A, %ne3A : i32
      %lt3A = arith.constant 0 : i32
      %lt3A_266 = arith.cmpi slt, %rem3A, %lt3A : i32
      %lt3A_267 = arith.constant 0 : i32
      %lt3A_268 = arith.cmpi slt, %select_n3A, %lt3A_267 : i32
      %ne3A_269 = arith.xori %lt3A_266, %lt3A_268 : i1
      %and3A = arith.andi %ne3A_269, %ne3A_265 : i1
      %add3A_270 = arith.addi %rem3A, %select_n3A : i32
      %select_n3A_271 = arith.select %and3A, %add3A_270, %rem3A : i32
      %mul3A_272 = arith.constant 1600 : i32
      %mul3A_273 = arith.muli %select_n3A_271, %mul3A_272 : i32
      %add3A_274 = arith.addi %mul3A_2, %mul3A_273 : i32
      %dma_start3A_275 = tpu.memref_slice %arg2[%add3A_274] : memref<819200xi32, #tpu.memory_space<hbm>> -> memref<1600xi32, #tpu.memory_space<hbm>>
      %dma_start3A_276 = tpu.memref_slice %arg2[%add3A_274] : memref<819200xi32, #tpu.memory_space<hbm>> -> memref<1600xi32, #tpu.memory_space<hbm>>
      tpu.enqueue_dma source(%dma_start3A_276 : memref<1600xi32, #tpu.memory_space<hbm>>) target(%arg6 : memref<1600xi32, #tpu.memory_space<vmem>>) target_semaphore(%arg10 : memref<!tpu.dma_semaphore, #tpu.memory_space<semaphore_mem>>)
      %sub3A = arith.constant 1 : i32
      %sub3A_277 = arith.subi %add3A_186, %sub3A : i32
      %mul3A_278 = arith.constant 1600 : i32
      %mul3A_279 = arith.muli %sub3A_277, %mul3A_278 : i32
      %add3A_280 = arith.addi %mul3A_2, %mul3A_279 : i32
      %dma_start3A_281 = arith.constant 0 : i32
      %dma_start3A_282 = tpu.memref_slice %arg4[%add3A_280, %dma_start3A_281] : memref<819200x32xf32, #tpu.memory_space<hbm>> -> memref<1600x32xf32, #tpu.memory_space<hbm>>
      %dma_start3A_283 = arith.constant 0 : i32
      %dma_start3A_284 = tpu.memref_slice %arg4[%add3A_280, %dma_start3A_283] : memref<819200x32xf32, #tpu.memory_space<hbm>> -> memref<1600x32xf32, #tpu.memory_space<hbm>>
      tpu.enqueue_dma source(%arg8 : memref<1600x32xf32, #tpu.memory_space<vmem>>) target(%dma_start3A_284 : memref<1600x32xf32, #tpu.memory_space<hbm>>) target_semaphore(%arg14 : memref<!tpu.dma_semaphore, #tpu.memory_space<semaphore_mem>>)
      %mul3A_285 = arith.constant 2 : i32
      %mul3A_286 = arith.muli %mul3A_285, %scan3A_182 : i32
      %add3A_287 = arith.constant 1 : i32
      %add3A_288 = arith.addi %mul3A_286, %add3A_287 : i32
      %add3A_289 = arith.constant 0 : i32
      %add3A_290 = arith.addi %mul3A_2, %add3A_289 : i32
      %dma_wait3A_291 = arith.constant 0 : i32
      %dma_wait3A_292 = tpu.memref_slice %arg4[%add3A_290, %dma_wait3A_291] : memref<819200x32xf32, #tpu.memory_space<hbm>> -> memref<1600x32xf32, #tpu.memory_space<hbm>>
      %dma_wait3A_293 = arith.constant 0 : i32
      %dma_wait3A_294 = tpu.memref_slice %arg4[%add3A_290, %dma_wait3A_293] : memref<819200x32xf32, #tpu.memory_space<hbm>> -> memref<1600x32xf32, #tpu.memory_space<hbm>>
      tpu.wait_dma2 semaphore(%arg14 : memref<!tpu.dma_semaphore, #tpu.memory_space<semaphore_mem>>) src(%arg8 : memref<1600x32xf32, #tpu.memory_space<vmem>>) dst(%dma_wait3A_294 : memref<1600x32xf32, #tpu.memory_space<hbm>>)
      %add3A_295 = arith.constant 0 : i32
      %add3A_296 = arith.addi %mul3A_2, %add3A_295 : i32
      %dma_wait3A_297 = tpu.memref_slice %arg2[%add3A_296] : memref<819200xi32, #tpu.memory_space<hbm>> -> memref<1600xi32, #tpu.memory_space<hbm>>
      %dma_wait3A_298 = tpu.memref_slice %arg2[%add3A_296] : memref<819200xi32, #tpu.memory_space<hbm>> -> memref<1600xi32, #tpu.memory_space<hbm>>
      tpu.wait_dma2 semaphore(%arg10 : memref<!tpu.dma_semaphore, #tpu.memory_space<semaphore_mem>>) src(%dma_wait3A_298 : memref<1600xi32, #tpu.memory_space<hbm>>) dst(%arg6 : memref<1600xi32, #tpu.memory_space<vmem>>)
      %dma_start3A_299 = arith.constant 0 : i32
      %dma_start3A_300 = arith.constant 0 : i32
      %dma_start3A_301 = tpu.memref_slice %arg8[%dma_start3A_299, %dma_start3A_300] : memref<1600x32xf32, #tpu.memory_space<vmem>> -> memref<400x32xf32, #tpu.memory_space<vmem>>
      %dma_start3A_302 = arith.constant 0 : i32
      %dma_start3A_303 = tpu.memref_slice %arg6[%dma_start3A_302] : memref<1600xi32, #tpu.memory_space<vmem>> -> memref<400xi32, #tpu.memory_space<vmem>>
      %dma_start3A_304 = arith.constant 0 : i32
      %dma_start3A_305 = arith.constant 0 : i32
      %dma_start3A_306 = tpu.memref_slice %arg3[%dma_start3A_304, %dma_start3A_305] : memref<1000000x32xf32, #tpu.memory_space<hbm>> -> memref<1000000x32xf32, #tpu.memory_space<hbm>>
      tpu.enqueue_indirect_dma source(%dma_start3A_306 : memref<1000000x32xf32, #tpu.memory_space<hbm>>) target(%dma_start3A_301 : memref<400x32xf32, #tpu.memory_space<vmem>>) offsets(%dma_start3A_303 : memref<400xi32, #tpu.memory_space<vmem>>) semaphore(%arg12 : memref<!tpu.dma_semaphore, #tpu.memory_space<semaphore_mem>>)
      %dma_start3A_307 = arith.constant 400 : i32
      %dma_start3A_308 = arith.constant 0 : i32
      %dma_start3A_309 = tpu.memref_slice %arg8[%dma_start3A_307, %dma_start3A_308] : memref<1600x32xf32, #tpu.memory_space<vmem>> -> memref<400x32xf32, #tpu.memory_space<vmem>>
      %dma_start3A_310 = arith.constant 400 : i32
      %dma_start3A_311 = tpu.memref_slice %arg6[%dma_start3A_310] : memref<1600xi32, #tpu.memory_space<vmem>> -> memref<400xi32, #tpu.memory_space<vmem>>
      %dma_start3A_312 = arith.constant 0 : i32
      %dma_start3A_313 = arith.constant 0 : i32
      %dma_start3A_314 = tpu.memref_slice %arg3[%dma_start3A_312, %dma_start3A_313] : memref<1000000x32xf32, #tpu.memory_space<hbm>> -> memref<1000000x32xf32, #tpu.memory_space<hbm>>
      tpu.enqueue_indirect_dma source(%dma_start3A_314 : memref<1000000x32xf32, #tpu.memory_space<hbm>>) target(%dma_start3A_309 : memref<400x32xf32, #tpu.memory_space<vmem>>) offsets(%dma_start3A_311 : memref<400xi32, #tpu.memory_space<vmem>>) semaphore(%arg12 : memref<!tpu.dma_semaphore, #tpu.memory_space<semaphore_mem>>)
      %dma_start3A_315 = arith.constant 800 : i32
      %dma_start3A_316 = arith.constant 0 : i32
      %dma_start3A_317 = tpu.memref_slice %arg8[%dma_start3A_315, %dma_start3A_316] : memref<1600x32xf32, #tpu.memory_space<vmem>> -> memref<400x32xf32, #tpu.memory_space<vmem>>
      %dma_start3A_318 = arith.constant 800 : i32
      %dma_start3A_319 = tpu.memref_slice %arg6[%dma_start3A_318] : memref<1600xi32, #tpu.memory_space<vmem>> -> memref<400xi32, #tpu.memory_space<vmem>>
      %dma_start3A_320 = arith.constant 0 : i32
      %dma_start3A_321 = arith.constant 0 : i32
      %dma_start3A_322 = tpu.memref_slice %arg3[%dma_start3A_320, %dma_start3A_321] : memref<1000000x32xf32, #tpu.memory_space<hbm>> -> memref<1000000x32xf32, #tpu.memory_space<hbm>>
      tpu.enqueue_indirect_dma source(%dma_start3A_322 : memref<1000000x32xf32, #tpu.memory_space<hbm>>) target(%dma_start3A_317 : memref<400x32xf32, #tpu.memory_space<vmem>>) offsets(%dma_start3A_319 : memref<400xi32, #tpu.memory_space<vmem>>) semaphore(%arg12 : memref<!tpu.dma_semaphore, #tpu.memory_space<semaphore_mem>>)
      %dma_start3A_323 = arith.constant 1200 : i32
      %dma_start3A_324 = arith.constant 0 : i32
      %dma_start3A_325 = tpu.memref_slice %arg8[%dma_start3A_323, %dma_start3A_324] : memref<1600x32xf32, #tpu.memory_space<vmem>> -> memref<400x32xf32, #tpu.memory_space<vmem>>
      %dma_start3A_326 = arith.constant 1200 : i32
      %dma_start3A_327 = tpu.memref_slice %arg6[%dma_start3A_326] : memref<1600xi32, #tpu.memory_space<vmem>> -> memref<400xi32, #tpu.memory_space<vmem>>
      %dma_start3A_328 = arith.constant 0 : i32
      %dma_start3A_329 = arith.constant 0 : i32
      %dma_start3A_330 = tpu.memref_slice %arg3[%dma_start3A_328, %dma_start3A_329] : memref<1000000x32xf32, #tpu.memory_space<hbm>> -> memref<1000000x32xf32, #tpu.memory_space<hbm>>
      tpu.enqueue_indirect_dma source(%dma_start3A_330 : memref<1000000x32xf32, #tpu.memory_space<hbm>>) target(%dma_start3A_325 : memref<400x32xf32, #tpu.memory_space<vmem>>) offsets(%dma_start3A_327 : memref<400xi32, #tpu.memory_space<vmem>>) semaphore(%arg12 : memref<!tpu.dma_semaphore, #tpu.memory_space<semaphore_mem>>)
      %dma_wait3A_331 = arith.constant 0 : i32
      %dma_wait3A_332 = arith.constant 0 : i32
      %dma_wait3A_333 = tpu.memref_slice %arg7[%dma_wait3A_331, %dma_wait3A_332] : memref<1600x32xf32, #tpu.memory_space<vmem>> -> memref<400x32xf32, #tpu.memory_space<vmem>>
      %dma_wait3A_334 = arith.constant 0 : i32
      %dma_wait3A_335 = tpu.memref_slice %arg5[%dma_wait3A_334] : memref<1600xi32, #tpu.memory_space<vmem>> -> memref<400xi32, #tpu.memory_space<vmem>>
      %dma_wait3A_336 = arith.constant 0 : i32
      %dma_wait3A_337 = arith.constant 0 : i32
      %dma_wait3A_338 = tpu.memref_slice %arg3[%dma_wait3A_336, %dma_wait3A_337] : memref<1000000x32xf32, #tpu.memory_space<hbm>> -> memref<1000000x32xf32, #tpu.memory_space<hbm>>
      tpu.wait_indirect_dma semaphore(%arg11 : memref<!tpu.dma_semaphore, #tpu.memory_space<semaphore_mem>>) src(%dma_wait3A_338 : memref<1000000x32xf32, #tpu.memory_space<hbm>>) dst(%dma_wait3A_333 : memref<400x32xf32, #tpu.memory_space<vmem>>)
      %dma_wait3A_339 = arith.constant 400 : i32
      %dma_wait3A_340 = arith.constant 0 : i32
      %dma_wait3A_341 = tpu.memref_slice %arg7[%dma_wait3A_339, %dma_wait3A_340] : memref<1600x32xf32, #tpu.memory_space<vmem>> -> memref<400x32xf32, #tpu.memory_space<vmem>>
      %dma_wait3A_342 = arith.constant 400 : i32
      %dma_wait3A_343 = tpu.memref_slice %arg5[%dma_wait3A_342] : memref<1600xi32, #tpu.memory_space<vmem>> -> memref<400xi32, #tpu.memory_space<vmem>>
      %dma_wait3A_344 = arith.constant 0 : i32
      %dma_wait3A_345 = arith.constant 0 : i32
      %dma_wait3A_346 = tpu.memref_slice %arg3[%dma_wait3A_344, %dma_wait3A_345] : memref<1000000x32xf32, #tpu.memory_space<hbm>> -> memref<1000000x32xf32, #tpu.memory_space<hbm>>
      tpu.wait_indirect_dma semaphore(%arg11 : memref<!tpu.dma_semaphore, #tpu.memory_space<semaphore_mem>>) src(%dma_wait3A_346 : memref<1000000x32xf32, #tpu.memory_space<hbm>>) dst(%dma_wait3A_341 : memref<400x32xf32, #tpu.memory_space<vmem>>)
      %dma_wait3A_347 = arith.constant 800 : i32
      %dma_wait3A_348 = arith.constant 0 : i32
      %dma_wait3A_349 = tpu.memref_slice %arg7[%dma_wait3A_347, %dma_wait3A_348] : memref<1600x32xf32, #tpu.memory_space<vmem>> -> memref<400x32xf32, #tpu.memory_space<vmem>>
      %dma_wait3A_350 = arith.constant 800 : i32
      %dma_wait3A_351 = tpu.memref_slice %arg5[%dma_wait3A_350] : memref<1600xi32, #tpu.memory_space<vmem>> -> memref<400xi32, #tpu.memory_space<vmem>>
      %dma_wait3A_352 = arith.constant 0 : i32
      %dma_wait3A_353 = arith.constant 0 : i32
      %dma_wait3A_354 = tpu.memref_slice %arg3[%dma_wait3A_352, %dma_wait3A_353] : memref<1000000x32xf32, #tpu.memory_space<hbm>> -> memref<1000000x32xf32, #tpu.memory_space<hbm>>
      tpu.wait_indirect_dma semaphore(%arg11 : memref<!tpu.dma_semaphore, #tpu.memory_space<semaphore_mem>>) src(%dma_wait3A_354 : memref<1000000x32xf32, #tpu.memory_space<hbm>>) dst(%dma_wait3A_349 : memref<400x32xf32, #tpu.memory_space<vmem>>)
      %dma_wait3A_355 = arith.constant 1200 : i32
      %dma_wait3A_356 = arith.constant 0 : i32
      %dma_wait3A_357 = tpu.memref_slice %arg7[%dma_wait3A_355, %dma_wait3A_356] : memref<1600x32xf32, #tpu.memory_space<vmem>> -> memref<400x32xf32, #tpu.memory_space<vmem>>
      %dma_wait3A_358 = arith.constant 1200 : i32
      %dma_wait3A_359 = tpu.memref_slice %arg5[%dma_wait3A_358] : memref<1600xi32, #tpu.memory_space<vmem>> -> memref<400xi32, #tpu.memory_space<vmem>>
      %dma_wait3A_360 = arith.constant 0 : i32
      %dma_wait3A_361 = arith.constant 0 : i32
      %dma_wait3A_362 = tpu.memref_slice %arg3[%dma_wait3A_360, %dma_wait3A_361] : memref<1000000x32xf32, #tpu.memory_space<hbm>> -> memref<1000000x32xf32, #tpu.memory_space<hbm>>
      tpu.wait_indirect_dma semaphore(%arg11 : memref<!tpu.dma_semaphore, #tpu.memory_space<semaphore_mem>>) src(%dma_wait3A_362 : memref<1000000x32xf32, #tpu.memory_space<hbm>>) dst(%dma_wait3A_357 : memref<400x32xf32, #tpu.memory_space<vmem>>)
      %add3A_363 = arith.constant 1 : i32
      %add3A_364 = arith.addi %add3A_288, %add3A_363 : i32
      %jit3A_365 = arith.constant 16 : i32
      %eq3A_366 = arith.constant 0 : i32
      %eq3A_367 = arith.cmpi eq, %jit3A_365, %eq3A_366 : i32
      %jit3A_368 = arith.constant 1 : i32
      %select_n3A_369 = arith.select %eq3A_367, %jit3A_368, %jit3A_365 : i32
      %rem3A_370 = arith.remsi %add3A_364, %select_n3A_369 : i32
      %ne3A_371 = arith.constant 0 : i32
      %ne3A_372 = arith.cmpi ne, %rem3A_370, %ne3A_371 : i32
      %lt3A_373 = arith.constant 0 : i32
      %lt3A_374 = arith.cmpi slt, %rem3A_370, %lt3A_373 : i32
      %lt3A_375 = arith.constant 0 : i32
      %lt3A_376 = arith.cmpi slt, %select_n3A_369, %lt3A_375 : i32
      %ne3A_377 = arith.xori %lt3A_374, %lt3A_376 : i1
      %and3A_378 = arith.andi %ne3A_377, %ne3A_372 : i1
      %add3A_379 = arith.addi %rem3A_370, %select_n3A_369 : i32
      %select_n3A_380 = arith.select %and3A_378, %add3A_379, %rem3A_370 : i32
      %mul3A_381 = arith.constant 1600 : i32
      %mul3A_382 = arith.muli %select_n3A_380, %mul3A_381 : i32
      %add3A_383 = arith.addi %mul3A_2, %mul3A_382 : i32
      %dma_start3A_384 = tpu.memref_slice %arg2[%add3A_383] : memref<819200xi32, #tpu.memory_space<hbm>> -> memref<1600xi32, #tpu.memory_space<hbm>>
      %dma_start3A_385 = tpu.memref_slice %arg2[%add3A_383] : memref<819200xi32, #tpu.memory_space<hbm>> -> memref<1600xi32, #tpu.memory_space<hbm>>
      tpu.enqueue_dma source(%dma_start3A_385 : memref<1600xi32, #tpu.memory_space<hbm>>) target(%arg5 : memref<1600xi32, #tpu.memory_space<vmem>>) target_semaphore(%arg9 : memref<!tpu.dma_semaphore, #tpu.memory_space<semaphore_mem>>)
      %sub3A_386 = arith.constant 1 : i32
      %sub3A_387 = arith.subi %add3A_288, %sub3A_386 : i32
      %mul3A_388 = arith.constant 1600 : i32
      %mul3A_389 = arith.muli %sub3A_387, %mul3A_388 : i32
      %add3A_390 = arith.addi %mul3A_2, %mul3A_389 : i32
      %dma_start3A_391 = arith.constant 0 : i32
      %dma_start3A_392 = tpu.memref_slice %arg4[%add3A_390, %dma_start3A_391] : memref<819200x32xf32, #tpu.memory_space<hbm>> -> memref<1600x32xf32, #tpu.memory_space<hbm>>
      %dma_start3A_393 = arith.constant 0 : i32
      %dma_start3A_394 = tpu.memref_slice %arg4[%add3A_390, %dma_start3A_393] : memref<819200x32xf32, #tpu.memory_space<hbm>> -> memref<1600x32xf32, #tpu.memory_space<hbm>>
      tpu.enqueue_dma source(%arg7 : memref<1600x32xf32, #tpu.memory_space<vmem>>) target(%dma_start3A_394 : memref<1600x32xf32, #tpu.memory_space<hbm>>) target_semaphore(%arg13 : memref<!tpu.dma_semaphore, #tpu.memory_space<semaphore_mem>>)
    }
    %scan3A_127 = arith.constant 7 : i32
    %dma_wait3A_128 = arith.constant 0 : i32
    %dma_wait3A_129 = arith.constant 0 : i32
    %dma_wait3A_130 = tpu.memref_slice %arg8[%dma_wait3A_128, %dma_wait3A_129] : memref<1600x32xf32, #tpu.memory_space<vmem>> -> memref<400x32xf32, #tpu.memory_space<vmem>>
    %dma_wait3A_131 = arith.constant 0 : i32
    %dma_wait3A_132 = tpu.memref_slice %arg6[%dma_wait3A_131] : memref<1600xi32, #tpu.memory_space<vmem>> -> memref<400xi32, #tpu.memory_space<vmem>>
    %dma_wait3A_133 = arith.constant 0 : i32
    %dma_wait3A_134 = arith.constant 0 : i32
    %dma_wait3A_135 = tpu.memref_slice %arg3[%dma_wait3A_133, %dma_wait3A_134] : memref<1000000x32xf32, #tpu.memory_space<hbm>> -> memref<1000000x32xf32, #tpu.memory_space<hbm>>
    tpu.wait_indirect_dma semaphore(%arg12 : memref<!tpu.dma_semaphore, #tpu.memory_space<semaphore_mem>>) src(%dma_wait3A_135 : memref<1000000x32xf32, #tpu.memory_space<hbm>>) dst(%dma_wait3A_130 : memref<400x32xf32, #tpu.memory_space<vmem>>)
    %dma_wait3A_136 = arith.constant 400 : i32
    %dma_wait3A_137 = arith.constant 0 : i32
    %dma_wait3A_138 = tpu.memref_slice %arg8[%dma_wait3A_136, %dma_wait3A_137] : memref<1600x32xf32, #tpu.memory_space<vmem>> -> memref<400x32xf32, #tpu.memory_space<vmem>>
    %dma_wait3A_139 = arith.constant 400 : i32
    %dma_wait3A_140 = tpu.memref_slice %arg6[%dma_wait3A_139] : memref<1600xi32, #tpu.memory_space<vmem>> -> memref<400xi32, #tpu.memory_space<vmem>>
    %dma_wait3A_141 = arith.constant 0 : i32
    %dma_wait3A_142 = arith.constant 0 : i32
    %dma_wait3A_143 = tpu.memref_slice %arg3[%dma_wait3A_141, %dma_wait3A_142] : memref<1000000x32xf32, #tpu.memory_space<hbm>> -> memref<1000000x32xf32, #tpu.memory_space<hbm>>
    tpu.wait_indirect_dma semaphore(%arg12 : memref<!tpu.dma_semaphore, #tpu.memory_space<semaphore_mem>>) src(%dma_wait3A_143 : memref<1000000x32xf32, #tpu.memory_space<hbm>>) dst(%dma_wait3A_138 : memref<400x32xf32, #tpu.memory_space<vmem>>)
    %dma_wait3A_144 = arith.constant 800 : i32
    %dma_wait3A_145 = arith.constant 0 : i32
    %dma_wait3A_146 = tpu.memref_slice %arg8[%dma_wait3A_144, %dma_wait3A_145] : memref<1600x32xf32, #tpu.memory_space<vmem>> -> memref<400x32xf32, #tpu.memory_space<vmem>>
    %dma_wait3A_147 = arith.constant 800 : i32
    %dma_wait3A_148 = tpu.memref_slice %arg6[%dma_wait3A_147] : memref<1600xi32, #tpu.memory_space<vmem>> -> memref<400xi32, #tpu.memory_space<vmem>>
    %dma_wait3A_149 = arith.constant 0 : i32
    %dma_wait3A_150 = arith.constant 0 : i32
    %dma_wait3A_151 = tpu.memref_slice %arg3[%dma_wait3A_149, %dma_wait3A_150] : memref<1000000x32xf32, #tpu.memory_space<hbm>> -> memref<1000000x32xf32, #tpu.memory_space<hbm>>
    tpu.wait_indirect_dma semaphore(%arg12 : memref<!tpu.dma_semaphore, #tpu.memory_space<semaphore_mem>>) src(%dma_wait3A_151 : memref<1000000x32xf32, #tpu.memory_space<hbm>>) dst(%dma_wait3A_146 : memref<400x32xf32, #tpu.memory_space<vmem>>)
    %dma_wait3A_152 = arith.constant 1200 : i32
    %dma_wait3A_153 = arith.constant 0 : i32
    %dma_wait3A_154 = tpu.memref_slice %arg8[%dma_wait3A_152, %dma_wait3A_153] : memref<1600x32xf32, #tpu.memory_space<vmem>> -> memref<400x32xf32, #tpu.memory_space<vmem>>
    %dma_wait3A_155 = arith.constant 1200 : i32
    %dma_wait3A_156 = tpu.memref_slice %arg6[%dma_wait3A_155] : memref<1600xi32, #tpu.memory_space<vmem>> -> memref<400xi32, #tpu.memory_space<vmem>>
    %dma_wait3A_157 = arith.constant 0 : i32
    %dma_wait3A_158 = arith.constant 0 : i32
    %dma_wait3A_159 = tpu.memref_slice %arg3[%dma_wait3A_157, %dma_wait3A_158] : memref<1000000x32xf32, #tpu.memory_space<hbm>> -> memref<1000000x32xf32, #tpu.memory_space<hbm>>
    tpu.wait_indirect_dma semaphore(%arg12 : memref<!tpu.dma_semaphore, #tpu.memory_space<semaphore_mem>>) src(%dma_wait3A_159 : memref<1000000x32xf32, #tpu.memory_space<hbm>>) dst(%dma_wait3A_154 : memref<400x32xf32, #tpu.memory_space<vmem>>)
    %add3A_160 = arith.constant 24000 : i32
    %add3A_161 = arith.addi %mul3A_2, %add3A_160 : i32
    %dma_start3A_162 = arith.constant 0 : i32
    %dma_start3A_163 = tpu.memref_slice %arg4[%add3A_161, %dma_start3A_162] : memref<819200x32xf32, #tpu.memory_space<hbm>> -> memref<1600x32xf32, #tpu.memory_space<hbm>>
    %dma_start3A_164 = arith.constant 0 : i32
    %dma_start3A_165 = tpu.memref_slice %arg4[%add3A_161, %dma_start3A_164] : memref<819200x32xf32, #tpu.memory_space<hbm>> -> memref<1600x32xf32, #tpu.memory_space<hbm>>
    tpu.enqueue_dma source(%arg8 : memref<1600x32xf32, #tpu.memory_space<vmem>>) target(%dma_start3A_165 : memref<1600x32xf32, #tpu.memory_space<hbm>>) target_semaphore(%arg14 : memref<!tpu.dma_semaphore, #tpu.memory_space<semaphore_mem>>)
    %add3A_166 = arith.constant 0 : i32
    %add3A_167 = arith.addi %mul3A_2, %add3A_166 : i32
    %dma_wait3A_168 = tpu.memref_slice %arg2[%add3A_167] : memref<819200xi32, #tpu.memory_space<hbm>> -> memref<1600xi32, #tpu.memory_space<hbm>>
    %dma_wait3A_169 = tpu.memref_slice %arg2[%add3A_167] : memref<819200xi32, #tpu.memory_space<hbm>> -> memref<1600xi32, #tpu.memory_space<hbm>>
    tpu.wait_dma2 semaphore(%arg9 : memref<!tpu.dma_semaphore, #tpu.memory_space<semaphore_mem>>) src(%dma_wait3A_169 : memref<1600xi32, #tpu.memory_space<hbm>>) dst(%arg5 : memref<1600xi32, #tpu.memory_space<vmem>>)
    %add3A_170 = arith.constant 0 : i32
    %add3A_171 = arith.addi %mul3A_2, %add3A_170 : i32
    %dma_wait3A_172 = arith.constant 0 : i32
    %dma_wait3A_173 = tpu.memref_slice %arg4[%add3A_171, %dma_wait3A_172] : memref<819200x32xf32, #tpu.memory_space<hbm>> -> memref<1600x32xf32, #tpu.memory_space<hbm>>
    %dma_wait3A_174 = arith.constant 0 : i32
    %dma_wait3A_175 = tpu.memref_slice %arg4[%add3A_171, %dma_wait3A_174] : memref<819200x32xf32, #tpu.memory_space<hbm>> -> memref<1600x32xf32, #tpu.memory_space<hbm>>
    tpu.wait_dma2 semaphore(%arg13 : memref<!tpu.dma_semaphore, #tpu.memory_space<semaphore_mem>>) src(%arg7 : memref<1600x32xf32, #tpu.memory_space<vmem>>) dst(%dma_wait3A_175 : memref<1600x32xf32, #tpu.memory_space<hbm>>)
    %add3A_176 = arith.constant 0 : i32
    %add3A_177 = arith.addi %mul3A_2, %add3A_176 : i32
    %dma_wait3A_178 = arith.constant 0 : i32
    %dma_wait3A_179 = tpu.memref_slice %arg4[%add3A_177, %dma_wait3A_178] : memref<819200x32xf32, #tpu.memory_space<hbm>> -> memref<1600x32xf32, #tpu.memory_space<hbm>>
    %dma_wait3A_180 = arith.constant 0 : i32
    %dma_wait3A_181 = tpu.memref_slice %arg4[%add3A_177, %dma_wait3A_180] : memref<819200x32xf32, #tpu.memory_space<hbm>> -> memref<1600x32xf32, #tpu.memory_space<hbm>>
    tpu.wait_dma2 semaphore(%arg14 : memref<!tpu.dma_semaphore, #tpu.memory_space<semaphore_mem>>) src(%arg8 : memref<1600x32xf32, #tpu.memory_space<vmem>>) dst(%dma_wait3A_181 : memref<1600x32xf32, #tpu.memory_space<hbm>>)
    return
  }
}

</mosaic_0001>

<sc_bundles>
// kernel: kernel.3.cloned.1.call-start
scs
__scs_entry_jumppad:
0x0: {  	(pc) =	sbr.rel $0x88, $3  }
0x1: {  	(tag) =	ssettag $0x0;
	lr =	simm.s32 $0x1  }
0x2: {  	[smem:$0x3F9F] =	sst lr;
	_ =	strace $0xD0000000  }
0x3: {  	_ = 	snop  }
0x4: {  	_ = 	snop  }
0x5: {  	_ = 	snop  }
0x6: {  	_ = 	snop  }
0x7: {  	_ = 	snop  }
__scs_overlays_trampoline_lowered:
0x8: {  	[smem:$0x3FAE] =	sst s0  }
0x9: {  	[smem:$0x3FAF] =	sst s1  }
0xa: {  	[smem:$0x3FB0] =	sst s2  }
0xb: {  	[smem:$0x3FB1] =	sst s3  }
0xc: {  	[smem:$0x3FB2] =	sst s4  }
0xd: {  	[smem:$0x3FB3] =	sst s5  }
0xe: {  	[smem:$0x3FB4] =	sst s6  }
0xf: {  	[smem:$0x3FB5] =	sst s7  }
0x10: {  	[smem:$0x3FB6] =	sst s8  }
0x11: {  	[smem:$0x3FB7] =	sst s9;
	s0 =	simm.s32 @!p0 $0x0  }
0x12: {  	s1 =	sld [smem:$0x3F9D];
	s0 =	simm.s32 @p0 $0x1  }
0x13: {  	[smem:$0x3FB8] =	sst s0;
	s0 =	simm.s32 @!p1 $0x0  }
0x14: {  	s2 =	sld [smem:$0x3F9C];
	s0 =	simm.s32 @p1 $0x1  }
0x15: {  	[smem:$0x3FB9] =	sst s0;
	s0 =	simm.s32 @!p2 $0x0  }
0x16: {  	s3 =	sld [smem:$0x3FDB];
	s0 =	simm.s32 @p2 $0x1  }
0x17: {  	s4 =	simm.s32 $0x1BF5;
	[smem:$0x3FBB] =	sst s0  }
0x18: {  	s0 =	sld [smem:$0x3F9E];
	_ =	swait.ge [sflag:s4], $0x0  }
0x19: {  	s7 =	sld [smem:$0x3F9F]  }
0x1a: {  	s8 =	sadd.s32 $0xFFFFE003, lr  }
0x1b: {  	s9 =	sadd.s32 $0xFFFFFEF7, lr;
	s5 =	simm.s32 $0xFFFFFFFF;
	p2 =	slt.u32 s8, $0xFFFFF086  }
0x1c: {  	p1 =	slt.u32 s9, $0xF7A;
	s5 =	simm.s32 @!p2 $0x0  }
0x1d: {  	s5 =	simm.s32 @p1 $0x1;
	p0 =	seq.s32 s7, s2  }
0x1e: {  	s7 =	smul.u32 @!p0 $0xF7A, s2;
	p2 =	seq.s32 @!p0 s5, $0x0  }
0x1f: {  	s9 =	smul.u32 $0xF7A, s1;
	s8 =	simm.s32 @!p0 $0x1BF5;
	p2 =	por !p2, p0  }
0x20: {  	[sflag:s8] =	ssyncset.s32 @!p0 $0xFFFFF086;
	s6 =	sadd.s32 @!p0 s3, s7;
	s7 =	simm.s32 @!p0 $0x108  }
0x21: {  	s3 =	sadd.s32 s3, s9;
	s6 =	sadd.s32 @!p0 $0x88, s6;
	s7 =	simm.s32 @p2 $0x1082  }
0x22: {  	[simem:s7], [sflag:s8] =	dma.local @!p0 [hbm:s6], $0xF7A  }
0x23: {  	s9 =	sor.u32 $0xD0000000, s2;
	s6 =	simm.s32 $0x108;
	_ =	swait.ge @!p0 [sflag:s8], $0x0  }
0x24: {  	s3 =	sadd.s32 $0x88, s3;
	s6 =	simm.s32 @!p1 $0x1082;
	[sflag:s4] =	ssyncset.s32 $0xFFFFF086  }
0x25: {  	[simem:s6], [sflag:s4] =	dma.local [hbm:s3], $0xF7A  }
0x26: {  	[smem:$0x3F9F] =	sst s1;
	(tag) =	ssettag s2;
	_ =	strace s9  }
0x27: {  	s1 =	sld [smem:$0x3FAF]  }
0x28: {  	s2 =	sld [smem:$0x3FB0]  }
0x29: {  	s4 =	sld [smem:$0x3FB2]  }
0x2a: {  	p0 =	seq.s32 s5, $0x0;
	s5 =	sld [smem:$0x3FB3]  }
0x2b: {  	s6 =	sld [smem:$0x3FB4]  }
0x2c: {  	s7 =	sld [smem:$0x3FB5]  }
0x2d: {  	s3 =	simm.s32 $0x108;
	s8 =	sld [smem:$0x3FB6]  }
0x2e: {  	s3 =	simm.s32 @!p0 $0x1082;
	s9 =	sld [smem:$0x3FB7]  }
0x2f: {  	lr =	sadd.s32 s0, s3;
	s0 =	sld [smem:$0x3FAE]  }
0x30: {  	s3 =	sld [smem:$0x3FB1]  }
0x31: {  	[smem:$0x3FBA] =	sst s10  }
0x32: {  	s10 =	sld [smem:$0x3FB8];
	_ =	sdelay $0x3  }
0x33: {  	p0 =	seq.s32 s10, $0x1;
	s10 =	sld [smem:$0x3FBA];
	_ =	sdelay $0x3  }
0x34: {  	[smem:$0x3FBA] =	sst s10  }
0x35: {  	s10 =	sld [smem:$0x3FB9];
	_ =	sdelay $0x3  }
0x36: {  	p1 =	seq.s32 s10, $0x1;
	s10 =	sld [smem:$0x3FBA];
	_ =	sdelay $0x3  }
0x37: {  	[smem:$0x3FBA] =	sst s10  }
0x38: {  	s10 =	sld [smem:$0x3FBB]  }
0x39: {  	_ = 	snop;
	(pc) =	sbr.ind lr, $3  }
0x3a: {  	_ = 	snop  }
0x3b: {  	_ = 	snop  }
0x3c: {  	p2 =	seq.s32 s10, $0x1;
	s10 =	sld [smem:$0x3FBA]  }
0x3d: {  	_ =	shalt  }
0x3e: {  	_ =	shalt  }
0x3f: {  	_ =	shalt  }
0x40: {  	_ =	shalt  }
0x41: {  	_ =	shalt  }
0x42: {  	_ =	shalt  }
0x43: {  	_ =	shalt  }
0x44: {  	_ =	shalt  }
0x45: {  	_ =	shalt  }
0x46: {  	_ =	shalt  }
0x47: {  	_ =	shalt  }
0x48: {  	_ =	shalt  }
0x49: {  	_ =	shalt  }
0x4a: {  	_ =	shalt  }
0x4b: {  	_ =	shalt  }
0x4c: {  	_ =	shalt  }
0x4d: {  	_ =	shalt  }
0x4e: {  	_ =	shalt  }
0x4f: {  	_ =	shalt  }
0x50: {  	_ =	shalt  }
0x51: {  	_ =	shalt  }
0x52: {  	_ =	shalt  }
0x53: {  	_ =	shalt  }
0x54: {  	_ =	shalt  }
0x55: {  	_ =	shalt  }
0x56: {  	_ =	shalt  }
0x57: {  	_ =	shalt  }
0x58: {  	_ =	shalt  }
0x59: {  	_ =	shalt  }
0x5a: {  	_ =	shalt  }
0x5b: {  	_ =	shalt  }
0x5c: {  	_ =	shalt  }
0x5d: {  	_ =	shalt  }
0x5e: {  	_ =	shalt  }
0x5f: {  	_ =	shalt  }
0x60: {  	_ =	shalt  }
0x61: {  	_ =	shalt  }
0x62: {  	_ =	shalt  }
0x63: {  	_ =	shalt  }
0x64: {  	_ =	shalt  }
0x65: {  	_ =	shalt  }
0x66: {  	_ =	shalt  }
0x67: {  	_ =	shalt  }
0x68: {  	_ =	shalt  }
0x69: {  	_ =	shalt  }
0x6a: {  	_ =	shalt  }
0x6b: {  	_ =	shalt  }
0x6c: {  	_ =	shalt  }
0x6d: {  	_ =	shalt  }
0x6e: {  	_ =	shalt  }
0x6f: {  	_ =	shalt  }
0x70: {  	_ =	shalt  }
0x71: {  	_ =	shalt  }
0x72: {  	_ =	shalt  }
0x73: {  	_ =	shalt  }
0x74: {  	_ =	shalt  }
0x75: {  	_ =	shalt  }
0x76: {  	_ =	shalt  }
0x77: {  	_ =	shalt  }
0x78: {  	_ =	shalt  }
0x79: {  	_ =	shalt  }
0x7a: {  	_ =	shalt  }
0x7b: {  	_ =	shalt  }
0x7c: {  	_ =	shalt  }
0x7d: {  	_ =	shalt  }
0x7e: {  	_ =	shalt  }
0x7f: {  	_ =	shalt  }
0x80: {  	_ =	shalt  }
0x81: {  	_ =	shalt  }
0x82: {  	_ =	shalt  }
0x83: {  	_ =	shalt  }
0x84: {  	_ =	shalt  }
0x85: {  	_ =	shalt  }
0x86: {  	_ =	shalt  }
0x87: {  	_ =	shalt  }
.Lfunc_end0:
.L_simem_size_0:
called_computation.1_lowered:
.L_overlay_start_0:
0x88: {  	s2 =	sld [smem:$0x3FD9]  }
0x89: {  	s3 =	sld [smem:$0x3FFE];
	_ =	sdelay $0x1  }
0x8a: {  	s1 =	srdreg.scid  }
0x8b: {  	s0 =	sand.u32 $0x1, s1  }
0x8c: {  	s17 =	sshll.u32 s0, $0xA;
	s2 =	sadd.s32 s3, s2  }
0x8d: {  	s2 =	sadd.s32 s2, s17  }
0x8e: {  	[smem:$0x3FC6] =	sst s2  }
0x8f: {  	_ = 	snop  }
0x90: {  	s2 =	sld [smem:$0x3FD0];
	(tm) =	ssettm $0x1  }
0x91: {  	s18 =	sld [smem:$0x3FFB];
	_ =	sdelay $0x3  }
0x92: {  	_ =	strace s18  }
0x93: {  	s3 =	sld [smem:$0x3FFC];
	_ =	sdelay $0x3  }
0x94: {  	_ =	strace s3  }
0x95: {  	s3 =	sld [smem:$0x3FFD];
	_ =	sdelay $0x3  }
0x96: {  	_ =	strace s3  }
0x97: {  	_ =	strace $0x8FFFFFFF  }
0x98: {  	s19 =	sld [smem:$0x3FDB];
	_ =	sdelay $0x1  }
0x99: {  	s4 =	simm.s32 $_scs_section_size  }
0x9a: {  	s5 =	simm.s32 $_size__tile_overlayer_lowered;
	s6 =	simm.s32 $_tile_overlayer_lowered  }
0x9b: {  	s22 =	simm.s32 $0x1BFF;
	s21 =	sshll.u32 s6, $0x1;
	s3 =	sadd.s32 s4, s19  }
0x9c: {  	s7 =	simm.s32 $0x0;
	s20 =	sshll.u32 s5, $0x1;
	s5 =	sadd.s32 s21, s3  }
0x9d: {  	[timem:s7], [sflag:s22] =	dma.local [hbm:s5], s20  }
0x9e: {  	_ =	swait.ge [sflag:s22], s20  }
0x9f: {  	s4 =	ssub.s32 $0x0, s20;
	[sflag:s22] =	ssyncset.done $0x0  }
0xa0: {  	[sflag:s22] =	ssyncadd.s32 s4;
	_ =	sdelay $0x1  }
0xa1: {  	s23 =	simm.s32 $0x1B8B  }
0xa2: {  	_ =	swait.ge [sflag:s23], $0x1  }
0xa3: {  	[sflag:s23] =	ssyncset.done $0x0  }
0xa4: {  	s25 =	simm.s32 $0x1B8E;
	s24 =	sld [smem:$0x3FFE];
	[sflag:s23] =	ssyncadd.s32 $0xFFFFFFFF  }
0xa5: {  	s26 =	simm.s32 $execute0_lowered;
	[smem:$0x3FD2] =	sst s25  }
0xa6: {  	s5 =	sshll.u32 s26, $0x1;
	_ =	strace $0x80000046;
	[dreg:$0x1] =	wrdreg $0xFFFFFFFF  }
0xa7: {  	s28 =	simm.s32 $_size_execute0_lowered;
	s3 =	sadd.s32 s3, s5;
	[dreg:$0x0] =	wrdreg $0x0  }
0xa8: {  	s5 =	sshll.u32 s28, $0x1;
	[dreg:$0x2] =	wrdreg s3  }
0xa9: {  	[dreg:$0x3] =	wrdreg s5  }
0xaa: {  	[dreg:$0x4] =	wrdreg $0xC0  }
0xab: {  	_ =	task [dreg:s7], $0x5FFFF  }
0xac: {  	[dreg:$0x1] =	wrdreg $0xFFFFFFFF  }
0xad: {  	[dreg:$0x0] =	wrdreg $0x60  }
0xae: {  	[dreg:$0x2] =	wrdreg s24  }
0xaf: {  	[dreg:$0x3] =	wrdreg s2  }
0xb0: {  	[dreg:$0x4] =	wrdreg $0x9  }
0xb1: {  	_ =	task.clear_ibuf [dreg:s7], $0x5FFFF;
	_ =	strace $0x90000046  }
0xb2: {  	s29 =	simm.s32 $0x9;
	_ =	strace $0x80000048  }
0xb3: {  	_ =	swait.ge [sflag:s29], $0x1  }
0xb4: {  	[sflag:s29] =	ssyncadd.s32 $0xFFFFFFFF  }
0xb5: {  	_ =	strace $0x90000048  }
0xb6: {  	_ =	sfence  }
0xb7: {  	s30 =	sld [smem:$0x0];
	_ =	sdelay $0x2  }
0xb8: {  	s31 =	sshll.u32 s1, $0xD;
	s1 =	sshrl.u32 s1, $0x2  }
0xb9: {  	s3 =	sand.u32 $0x4000, s31;
	s1 =	sadd.s32 s1, s30  }
0xba: {  	s0 =	sor.u32 s3, s0;
	s1 =	sshll.u32 s1, $0x11  }
0xbb: {  	s0 =	sor.u32 s1, s0  }
0xbc: {  	s0 =	sadd.s32 $0x8F2B, s0  }
0xbd: {  	[sflag:s0] =	ssyncadd.remote.s32 $0x1  }
0xbe: {  	_ =	sfence.sel $0xFFFF  }
0xbf: {  	[dreg:$0x0] =	wrdreg $0xFFFFFFFF;
	(pc) =	sbr.abs _section_cstart, $3  }
0xc0: {  	[dreg:$0x1] =	wrdreg $0xFFFFFFFF  }
0xc1: {  	_ =	task.clear_ibuf [dreg:s7], $0x2FFFF;
	_ =	strace $0x9FFFFFFF  }
0xc2: {  	(tm) =	ssettm $0x7FFFFFFF  }
0xc3: {  	_ =	shalt  }
tec
execute0_lowered:
.L_overlay_start_1:
0x0: {  	(tag) =	ssettag $0x1  }
0x1: {  	s0 =	rddreg [dreg:$0x0];
	s1 =	srdreg.scid  }
0x2: {  	s10 =	stileid.u32;
	s5 =	rddreg [dreg:$0x1]  }
0x3: {  	s2 =	simm.s32 $0x0;
	s15 =	simm.s32 $0x1;
	s16 =	simm.s32 $0x190  }
0x4: {  	s28 =	simm.s32 $0x10680;
	s29 =	simm.s32 $0x960;
	s30 =	simm.s32 $0x13880  }
0x5: {  	s1 =	sand.u32 $0x1, s1;
	s3 =	sshll.u32 s10, $0x1;
	s10 =	smul.u32 $0xC800, s10  }
0x6: {  	s7 =	sor.u32 s1, s3;
	s9 =	ssub.s32 $0x2, s1;
	s1 =	smul.u32 $0x6400, s1  }
0x7: {  	s31 =	simm.s32 $0xAF0;
	[smem:$0x7FF] =	sst s2;
	s3 =	smul.u32 $0x6400, s7  }
0x8: {  	s4 =	sadd.s32 $0xA00, s0;
	s8 =	smul.u32 $0xC8000, s7;
	s11 =	sshrl.u32 s9, $0x1  }
0x9: {  	_ =	strace $0x80000047;
	s7 =	smul.u32 $0x19000, s7;
	s17 =	ssub.s32 s9, s11  }
0xa: {  	s1 =	sadd.s32 s1, s10;
	s9 =	simm.s32 $0x6;
	s10 =	simm.s32 $0x0  }
0xb: {  	s6 =	sshrl.u32 s3, $0x3;
	s8 =	sshrl.u32 s8, $0x3;
	s20 =	sshll.u32 s1, $0x2  }
0xc: {  	s7 =	sadd.s32 s5, s7;
	s1 =	sadd.s32 $0x12C0, s1;
	s12 =	sadd.s32 s4, s6  }
0xd: {  	s6 =	sadd.s32 $0xF42E00, s0;
	s8 =	sadd.s32 s5, s8;
	[dreg:$0x6] =	wrdreg s7  }
0xe: {  	s22 =	sadd.s32 $0x20001900, s20;
	s0 =	smax.u32 s17, $0x1;
	s24 =	sshrl.u32 s1, $0x3  }
0xf: {  	s25 =	sadd.s32 s5, s20;
	s17 =	simm.s32 $0xC80;
	s20 =	simm.s32 $0x7080  }
0x10: {  	s1 =	simm.s32 $0x16A80;
	s7 =	simm.s32 $0x5;
	[dreg:$0x3] =	wrdreg s12  }
0x11: {  	s18 =	sadd.s32 $0xC8, s12;
	s19 =	sadd.s32 $0x190, s12;
	[dreg:$0x8] =	wrdreg s0  }
0x12: {  	s21 =	sadd.s32 $0x17700, s8;
	s23 =	sand.u32 $0xFFF900, s22;
	[dreg:$0x4] =	wrdreg s18  }
0x13: {  	s26 =	sadd.s32 $0x3200, s25;
	s22 =	simm.s32 $0xA280;
	[dreg:$0x5] =	wrdreg s19  }
0x14: {  	s25 =	simm.s32 $0xD480;
	s8 =	simm.s32 $0x4;
	[dreg:$0x7] =	wrdreg s21  }
0x15: {  	s0 =	sadd.s32 s23, s5;
	[dreg:$0xb] =	wrdreg s26;
	s18 =	simm.s32 $0x3E80  }
0x16: {  	s19 =	simm.s32 $0x320;
	s21 =	simm.s32 $0x4B0;
	s23 =	simm.s32 $0x640  }
0x17: {  	s26 =	simm.s32 $0x7D0;
	[dreg:$0x9] =	wrdreg s0;
	s0 =	sadd.s32 s24, s4  }
0x18: {  	s24 =	simm.s32 $0x2;
	[dreg:$0xa] =	wrdreg s0;
	s0 =	simm.s32 $0x3  }
.LBB2_1:
0x19: {  	[dreg:$0xc] =	wrdreg s10  }
0x1a: {  	s5 =	rddreg [dreg:$0x3]  }
0x1b: {  	[tilespmem:s2], [sflag:$0x1] =	stream.linear.gather [hbm4b:s5+s2], $0x640, $0x38;
	[tilespmem:$0x19C80] =	vst v63  }
0x1c: {  	_ =	swait.ge [sflag:s15], $0x640  }
0x1d: {  	[sflag:s15] =	ssyncset.done $0x0  }
0x1e: {  	[sflag:s15] =	ssyncadd.s32 $0xFFFFF9C0  }
0x1f: {  	[tilespmem:s17], [sflag:$0x3] =	stream.indirect.gather [hbm4b:s6+s16], $0x20, s2, s16, $0xb8;
	[tilespmem:$0x19C80] =	vst v63  }
0x20: {  	_ = 	snop  }
0x21: {  	[tilespmem:s18], [sflag:$0x3] =	stream.indirect.gather [hbm4b:s6+s16], $0x20, s16, s16, $0xb8;
	[tilespmem:$0x19C80] =	vst v63  }
0x22: {  	_ = 	snop  }
0x23: {  	[tilespmem:s20], [sflag:$0x3] =	stream.indirect.gather [hbm4b:s6+s16], $0x20, s19, s16, $0xb8;
	[tilespmem:$0x19C80] =	vst v63  }
0x24: {  	_ = 	snop  }
0x25: {  	[tilespmem:s22], [sflag:$0x3] =	stream.indirect.gather [hbm4b:s6+s16], $0x20, s21, s16, $0xb8;
	[tilespmem:$0x19C80] =	vst v63  }
0x26: {  	s10 =	rddreg [dreg:$0x4]  }
0x27: {  	[tilespmem:s23], [sflag:$0x2] =	stream.linear.gather [hbm4b:s10+s2], $0x640, $0x38;
	[tilespmem:$0x19C80] =	vst v63  }
0x28: {  	_ =	swait.ge [sflag:s24], $0x640  }
0x29: {  	[sflag:s24] =	ssyncset.done $0x0  }
0x2a: {  	[sflag:s24] =	ssyncadd.s32 $0xFFFFF9C0  }
0x2b: {  	[tilespmem:s25], [sflag:$0x4] =	stream.indirect.gather [hbm4b:s6+s16], $0x20, s23, s16, $0xb8;
	[tilespmem:$0x19C80] =	vst v63  }
0x2c: {  	_ = 	snop  }
0x2d: {  	[tilespmem:s28], [sflag:$0x4] =	stream.indirect.gather [hbm4b:s6+s16], $0x20, s26, s16, $0xb8;
	[tilespmem:$0x19C80] =	vst v63  }
0x2e: {  	_ = 	snop  }
0x2f: {  	[tilespmem:s30], [sflag:$0x4] =	stream.indirect.gather [hbm4b:s6+s16], $0x20, s29, s16, $0xb8;
	[tilespmem:$0x19C80] =	vst v63  }
0x30: {  	_ = 	snop  }
0x31: {  	[tilespmem:s1], [sflag:$0x4] =	stream.indirect.gather [hbm4b:s6+s16], $0x20, s31, s16, $0xb8;
	[tilespmem:$0x19C80] =	vst v63  }
0x32: {  	_ =	swait.ge [sflag:s0], $0x3200  }
0x33: {  	[sflag:s0] =	ssyncset.done $0x0  }
0x34: {  	[sflag:s0] =	ssyncadd.s32 $0xFFFFCE00  }
0x35: {  	_ =	swait.ge [sflag:s0], $0x3200  }
0x36: {  	[sflag:s0] =	ssyncset.done $0x0  }
0x37: {  	[sflag:s0] =	ssyncadd.s32 $0xFFFFCE00  }
0x38: {  	_ =	swait.ge [sflag:s0], $0x3200  }
0x39: {  	[sflag:s0] =	ssyncset.done $0x0  }
0x3a: {  	[sflag:s0] =	ssyncadd.s32 $0xFFFFCE00  }
0x3b: {  	_ =	swait.ge [sflag:s0], $0x3200  }
0x3c: {  	[sflag:s0] =	ssyncset.done $0x0  }
0x3d: {  	s11 =	rddreg [dreg:$0x5];
	[sflag:s0] =	ssyncadd.s32 $0xFFFFCE00  }
0x3e: {  	[tilespmem:s2], [sflag:$0x1] =	stream.linear.gather [hbm4b:s11+s2], $0x640, $0x38;
	[tilespmem:$0x19C80] =	vst v63  }
0x3f: {  	s12 =	rddreg [dreg:$0x6]  }
0x40: {  	[hbm4b:s12+s2] =	stream.linear.scatter [tilespmem:s17], [sflag:$0x5], $0xC800, $0x38;
	[tilespmem:$0x19C80] =	vst v63  }
0x41: {  	_ =	swait.ge [sflag:s7], $0xC800  }
0x42: {  	[sflag:s7] =	ssyncset.done $0x0  }
0x43: {  	[sflag:s7] =	ssyncadd.s32 $0xFFFF3800  }
0x44: {  	_ =	swait.ge [sflag:s15], $0x640  }
0x45: {  	[sflag:s15] =	ssyncset.done $0x0  }
0x46: {  	[sflag:s15] =	ssyncadd.s32 $0xFFFFF9C0  }
0x47: {  	[tilespmem:s17], [sflag:$0x3] =	stream.indirect.gather [hbm4b:s6+s16], $0x20, s2, s16, $0xb8;
	[tilespmem:$0x19C80] =	vst v63  }
0x48: {  	_ = 	snop  }
0x49: {  	[tilespmem:s18], [sflag:$0x3] =	stream.indirect.gather [hbm4b:s6+s16], $0x20, s16, s16, $0xb8;
	[tilespmem:$0x19C80] =	vst v63  }
0x4a: {  	_ = 	snop  }
0x4b: {  	[tilespmem:s20], [sflag:$0x3] =	stream.indirect.gather [hbm4b:s6+s16], $0x20, s19, s16, $0xb8;
	[tilespmem:$0x19C80] =	vst v63  }
0x4c: {  	_ = 	snop  }
0x4d: {  	[tilespmem:s22], [sflag:$0x3] =	stream.indirect.gather [hbm4b:s6+s16], $0x20, s21, s16, $0xb8;
	[tilespmem:$0x19C80] =	vst v63  }
0x4e: {  	_ =	swait.ge [sflag:s8], $0x3200  }
0x4f: {  	[sflag:s8] =	ssyncset.done $0x0  }
0x50: {  	[sflag:s8] =	ssyncadd.s32 $0xFFFFCE00  }
0x51: {  	_ =	swait.ge [sflag:s8], $0x3200  }
0x52: {  	[sflag:s8] =	ssyncset.done $0x0  }
0x53: {  	[sflag:s8] =	ssyncadd.s32 $0xFFFFCE00  }
0x54: {  	_ =	swait.ge [sflag:s8], $0x3200  }
0x55: {  	[sflag:s8] =	ssyncset.done $0x0  }
0x56: {  	[sflag:s8] =	ssyncadd.s32 $0xFFFFCE00  }
0x57: {  	_ =	swait.ge [sflag:s8], $0x3200  }
0x58: {  	[sflag:s8] =	ssyncset.done $0x0  }
0x59: {  	s12 =	rddreg [dreg:$0xa];
	[sflag:s8] =	ssyncadd.s32 $0xFFFFCE00  }
0x5a: {  	[tilespmem:s23], [sflag:$0x2] =	stream.linear.gather [hbm4b:s12+s2], $0x640, $0x38;
	[tilespmem:$0x19C80] =	vst v63  }
0x5b: {  	s13 =	rddreg [dreg:$0x9]  }
0x5c: {  	[hbm4b:s13+s2] =	stream.linear.scatter [tilespmem:s25], [sflag:$0x6], $0xC800, $0x38;
	[tilespmem:$0x19C80] =	vst v63  }
0x5d: {  	_ =	swait.ge [sflag:s9], $0xC800  }
0x5e: {  	[sflag:s9] =	ssyncset.done $0x0  }
0x5f: {  	[sflag:s9] =	ssyncadd.s32 $0xFFFF3800  }
0x60: {  	_ =	swait.ge [sflag:s24], $0x640  }
0x61: {  	[sflag:s24] =	ssyncset.done $0x0  }
0x62: {  	[sflag:s24] =	ssyncadd.s32 $0xFFFFF9C0  }
0x63: {  	[tilespmem:s25], [sflag:$0x4] =	stream.indirect.gather [hbm4b:s6+s16], $0x20, s23, s16, $0xb8;
	[tilespmem:$0x19C80] =	vst v63  }
0x64: {  	_ = 	snop  }
0x65: {  	[tilespmem:s28], [sflag:$0x4] =	stream.indirect.gather [hbm4b:s6+s16], $0x20, s26, s16, $0xb8;
	[tilespmem:$0x19C80] =	vst v63  }
0x66: {  	_ = 	snop  }
0x67: {  	[tilespmem:s30], [sflag:$0x4] =	stream.indirect.gather [hbm4b:s6+s16], $0x20, s29, s16, $0xb8;
	[tilespmem:$0x19C80] =	vst v63  }
0x68: {  	_ = 	snop  }
0x69: {  	[tilespmem:s1], [sflag:$0x4] =	stream.indirect.gather [hbm4b:s6+s16], $0x20, s31, s16, $0xb8;
	[tilespmem:$0x19C80] =	vst v63  }
0x6a: {  	_ =	swait.ge [sflag:s0], $0x3200  }
0x6b: {  	[sflag:s0] =	ssyncset.done $0x0  }
0x6c: {  	[sflag:s0] =	ssyncadd.s32 $0xFFFFCE00  }
0x6d: {  	_ =	swait.ge [sflag:s0], $0x3200  }
0x6e: {  	[sflag:s0] =	ssyncset.done $0x0  }
0x6f: {  	s14 =	sand.u32 $0xE, s8;
	[sflag:s0] =	ssyncadd.s32 $0xFFFFCE00  }
0x70: {  	s5 =	smul.u32 $0x640, s14;
	_ =	swait.ge [sflag:s0], $0x3200  }
0x71: {  	[sflag:s0] =	ssyncset.done $0x0  }
0x72: {  	s5 =	sadd.s32 s3, s5;
	[sflag:s0] =	ssyncadd.s32 $0xFFFFCE00  }
0x73: {  	s5 =	sshrl.u32 s5, $0x3;
	_ =	swait.ge [sflag:s0], $0x3200  }
0x74: {  	s5 =	sadd.s32 s4, s5;
	[sflag:s0] =	ssyncset.done $0x0  }
0x75: {  	s11 =	simm.s32 $0x6;
	s14 =	rddreg [dreg:$0xb];
	[sflag:s0] =	ssyncadd.s32 $0xFFFFCE00  }
0x76: {  	[tilespmem:s2], [sflag:$0x1] =	stream.linear.gather [hbm4b:s5+s2], $0x640, $0x38;
	[tilespmem:$0x19C80] =	vst v63  }
0x77: {  	s12 =	sadd.s32 $0x190, s12;
	s5 =	sadd.s32 $0x3200, s13;
	s13 =	sadd.s32 $0x3200, s14  }
.LBB2_2:
0x78: {  	[hbm4b:s14+s2] =	stream.linear.scatter [tilespmem:s17], [sflag:$0x5], $0xC800, $0x38;
	[tilespmem:$0x19C80] =	vst v63  }
0x79: {  	s10 =	smov.u32 s11;
	s14 =	smov.u32 s13  }
0x7a: {  	p0 =	sne.s32 s11, $0x10;
	s11 =	sadd.s32 $0x2, s11;
	_ =	swait.ge [sflag:s7], $0xC800  }
0x7b: {  	[sflag:s7] =	ssyncset.done $0x0  }
0x7c: {  	[sflag:s7] =	ssyncadd.s32 $0xFFFF3800  }
0x7d: {  	_ =	swait.ge [sflag:s15], $0x640  }
0x7e: {  	[sflag:s15] =	ssyncset.done $0x0  }
0x7f: {  	[sflag:s15] =	ssyncadd.s32 $0xFFFFF9C0  }
0x80: {  	[tilespmem:s17], [sflag:$0x3] =	stream.indirect.gather [hbm4b:s6+s16], $0x20, s2, s16, $0xb8;
	[tilespmem:$0x19C80] =	vst v63  }
0x81: {  	_ = 	snop  }
0x82: {  	[tilespmem:s18], [sflag:$0x3] =	stream.indirect.gather [hbm4b:s6+s16], $0x20, s16, s16, $0xb8;
	[tilespmem:$0x19C80] =	vst v63  }
0x83: {  	_ = 	snop  }
0x84: {  	[tilespmem:s20], [sflag:$0x3] =	stream.indirect.gather [hbm4b:s6+s16], $0x20, s19, s16, $0xb8;
	[tilespmem:$0x19C80] =	vst v63  }
0x85: {  	_ = 	snop  }
0x86: {  	[tilespmem:s22], [sflag:$0x3] =	stream.indirect.gather [hbm4b:s6+s16], $0x20, s21, s16, $0xb8;
	[tilespmem:$0x19C80] =	vst v63  }
0x87: {  	_ =	swait.ge [sflag:s8], $0x3200  }
0x88: {  	[sflag:s8] =	ssyncset.done $0x0  }
0x89: {  	[sflag:s8] =	ssyncadd.s32 $0xFFFFCE00  }
0x8a: {  	_ =	swait.ge [sflag:s8], $0x3200  }
0x8b: {  	[sflag:s8] =	ssyncset.done $0x0  }
0x8c: {  	[sflag:s8] =	ssyncadd.s32 $0xFFFFCE00  }
0x8d: {  	_ =	swait.ge [sflag:s8], $0x3200  }
0x8e: {  	[sflag:s8] =	ssyncset.done $0x0  }
0x8f: {  	[sflag:s8] =	ssyncadd.s32 $0xFFFFCE00  }
0x90: {  	_ =	swait.ge [sflag:s8], $0x3200  }
0x91: {  	[sflag:s8] =	ssyncset.done $0x0  }
0x92: {  	[sflag:s8] =	ssyncadd.s32 $0xFFFFCE00  }
0x93: {  	[tilespmem:s23], [sflag:$0x2] =	stream.linear.gather [hbm4b:s12+s2], $0x640, $0x38;
	[tilespmem:$0x19C80] =	vst v63  }
0x94: {  	_ = 	snop  }
0x95: {  	[hbm4b:s5+s2] =	stream.linear.scatter [tilespmem:s25], [sflag:$0x6], $0xC800, $0x38;
	[tilespmem:$0x19C80] =	vst v63  }
0x96: {  	_ =	swait.ge [sflag:s9], $0xC800  }
0x97: {  	[sflag:s9] =	ssyncset.done $0x0  }
0x98: {  	[sflag:s9] =	ssyncadd.s32 $0xFFFF3800  }
0x99: {  	_ =	swait.ge [sflag:s24], $0x640  }
0x9a: {  	[sflag:s24] =	ssyncset.done $0x0  }
0x9b: {  	[sflag:s24] =	ssyncadd.s32 $0xFFFFF9C0  }
0x9c: {  	[tilespmem:s25], [sflag:$0x4] =	stream.indirect.gather [hbm4b:s6+s16], $0x20, s23, s16, $0xb8;
	[tilespmem:$0x19C80] =	vst v63  }
0x9d: {  	_ = 	snop  }
0x9e: {  	[tilespmem:s28], [sflag:$0x4] =	stream.indirect.gather [hbm4b:s6+s16], $0x20, s26, s16, $0xb8;
	[tilespmem:$0x19C80] =	vst v63  }
0x9f: {  	_ = 	snop  }
0xa0: {  	[tilespmem:s30], [sflag:$0x4] =	stream.indirect.gather [hbm4b:s6+s16], $0x20, s29, s16, $0xb8;
	[tilespmem:$0x19C80] =	vst v63  }
0xa1: {  	_ = 	snop  }
0xa2: {  	[tilespmem:s1], [sflag:$0x4] =	stream.indirect.gather [hbm4b:s6+s16], $0x20, s31, s16, $0xb8;
	[tilespmem:$0x19C80] =	vst v63  }
0xa3: {  	_ =	swait.ge [sflag:s0], $0x3200  }
0xa4: {  	[sflag:s0] =	ssyncset.done $0x0  }
0xa5: {  	[sflag:s0] =	ssyncadd.s32 $0xFFFFCE00  }
0xa6: {  	_ =	swait.ge [sflag:s0], $0x3200  }
0xa7: {  	[sflag:s0] =	ssyncset.done $0x0  }
0xa8: {  	[sflag:s0] =	ssyncadd.s32 $0xFFFFCE00  }
0xa9: {  	s10 =	sand.u32 $0xE, s10;
	_ =	swait.ge [sflag:s0], $0x3200  }
0xaa: {  	s10 =	smul.u32 $0x640, s10;
	[sflag:s0] =	ssyncset.done $0x0  }
0xab: {  	[sflag:s0] =	ssyncadd.s32 $0xFFFFCE00  }
.Ltmp0:
0xac: {  	s10 =	sadd.s32 s3, s10;
	_ =	swait.ge [sflag:s0], $0x3200;
	(pc) =	sbr.rel @p0 .LBB2_2-.Ltmp0, $4  }
0xad: {  	s10 =	sshrl.u32 s10, $0x3;
	[sflag:s0] =	ssyncset.done $0x0  }
0xae: {  	s10 =	sadd.s32 s4, s10;
	[sflag:s0] =	ssyncadd.s32 $0xFFFFCE00  }
0xaf: {  	[tilespmem:s2], [sflag:$0x1] =	stream.linear.gather [hbm4b:s10+s2], $0x640, $0x38;
	[tilespmem:$0x19C80] =	vst v63  }
0xb0: {  	s13 =	sadd.s32 $0x3200, s13;
	s12 =	sadd.s32 $0x190, s12;
	s5 =	sadd.s32 $0x3200, s5  }
0xb1: {  	[hbm4b:s14+s2] =	stream.linear.scatter [tilespmem:s17], [sflag:$0x5], $0xC800, $0x38;
	[tilespmem:$0x19C80] =	vst v63  }
0xb2: {  	_ =	swait.ge [sflag:s8], $0x3200  }
0xb3: {  	[sflag:s8] =	ssyncset.done $0x0  }
0xb4: {  	[sflag:s8] =	ssyncadd.s32 $0xFFFFCE00  }
0xb5: {  	_ =	swait.ge [sflag:s8], $0x3200  }
0xb6: {  	[sflag:s8] =	ssyncset.done $0x0  }
0xb7: {  	[sflag:s8] =	ssyncadd.s32 $0xFFFFCE00  }
0xb8: {  	_ =	swait.ge [sflag:s8], $0x3200  }
0xb9: {  	[sflag:s8] =	ssyncset.done $0x0  }
0xba: {  	[sflag:s8] =	ssyncadd.s32 $0xFFFFCE00  }
0xbb: {  	_ =	swait.ge [sflag:s8], $0x3200  }
0xbc: {  	[sflag:s8] =	ssyncset.done $0x0  }
0xbd: {  	s5 =	rddreg [dreg:$0x7];
	[sflag:s8] =	ssyncadd.s32 $0xFFFFCE00  }
0xbe: {  	[hbm4b:s5+s2] =	stream.linear.scatter [tilespmem:s25], [sflag:$0x6], $0xC800, $0x38;
	[tilespmem:$0x19C80] =	vst v63  }
0xbf: {  	_ =	swait.ge [sflag:s15], $0x640  }
0xc0: {  	[sflag:s15] =	ssyncset.done $0x0  }
0xc1: {  	[sflag:s15] =	ssyncadd.s32 $0xFFFFF9C0  }
0xc2: {  	_ =	swait.ge [sflag:s7], $0xC800  }
0xc3: {  	[sflag:s7] =	ssyncset.done $0x0  }
0xc4: {  	[sflag:s7] =	ssyncadd.s32 $0xFFFF3800  }
0xc5: {  	_ =	swait.ge [sflag:s9], $0xC800  }
0xc6: {  	s10 =	rddreg [dreg:$0xc]  }
0xc7: {  	s14 =	rddreg [dreg:$0x8];
	s10 =	sadd.s32 $0x1, s10  }
0xc8: {  	p0 =	sne.s32 s10, s14  }
.Ltmp1:
0xc9: {  	_ = 	snop;
	(pc) =	sbr.rel @p0 .LBB2_1-.Ltmp1, $3  }
0xca: {  	_ =	sdelay $0x1  }
0xcb: {  	[sflag:s9] =	ssyncset.done $0x0  }
0xcc: {  	[sflag:s9] =	ssyncadd.s32 $0xFFFF3800  }
0xcd: {  	_ =	sfence.sel $0x180000  }
0xce: {  	[bflag:$0x0] =	sbarrier.arrive $0xFFFF  }
0xcf: {  	_ =	strace $0x90000047  }
0xd0: {  	s0 =	stileid.u32;
	[bflag:$0x2] =	sbarrier.arrive $0xFFFF  }
0xd1: {  	p0 =	sne.s32 s0, $0x0;
	s0 =	rddreg [dreg:$0x2]  }
0xd2: {  	s0 =	sadd.s32 @!p0 $0x100000, s0  }
0xd3: {  	[sflag:s0] =	ssyncadd.tile.s32 @!p0 $0x1;
	_ =	shalt  }
.Lfunc_end2:
_tile_overlayer_lowered:
.L_overlay_start_2:
0xd4: {  	(tag) =	ssettag $0x2  }
0xd5: {  	s0 =	rddreg [dreg:$0x0];
	s2 =	stileid.u32  }
0xd6: {  	s1 =	rddreg [dreg:$0x1];
	p0 =	sne.s32 s2, $0x0  }
0xd7: {  	s3 =	rddreg [dreg:$0x2];
	[bflag:$0x3] =	sbarrier.arrive $0xFFFF;
	s2 =	simm.s32 @!p0 $0x1C07  }
0xd8: {  	[timem:s3], [sflag:s2] =	dma.local @!p0 [hbm:s0], s1  }
0xd9: {  	s0 =	simm.s32 @!p0 $0x7  }
0xda: {  	_ =	swait.ge @!p0 [sflag:s0], s1  }
0xdb: {  	s1 =	ssub.s32 @!p0 $0x0, s1;
	[sflag:s0] =	ssyncset.done @!p0 $0x0  }
0xdc: {  	[sflag:s0] =	ssyncadd.s32 @!p0 s1  }
0xdd: {  	[bflag:$0x3] =	sbarrier.arrive $0xFFFF  }
0xde: {  	_ =	shalt  }

// kernel: sparse-core-data-format-call.cloned.1.call-start
scs
called_computation_lowered:
.L_overlay_start_0:
0x0: {  	s2 =	sld [smem:$0x3FD9]  }
0x1: {  	s3 =	sld [smem:$0x3FFE];
	_ =	sdelay $0x1  }
0x2: {  	s1 =	srdreg.scid  }
0x3: {  	s0 =	sand.u32 $0x1, s1  }
0x4: {  	s18 =	sshll.u32 s0, $0xA;
	s2 =	sadd.s32 s3, s2  }
0x5: {  	s2 =	sadd.s32 s2, s18  }
0x6: {  	[smem:$0x3FC6] =	sst s2  }
0x7: {  	_ = 	snop  }
0x8: {  	s2 =	sld [smem:$0x3FD0];
	(tm) =	ssettm $0x1  }
0x9: {  	s19 =	sld [smem:$0x3FFB];
	_ =	sdelay $0x3  }
0xa: {  	_ =	strace s19  }
0xb: {  	s3 =	sld [smem:$0x3FFC];
	_ =	sdelay $0x3  }
0xc: {  	_ =	strace s3  }
0xd: {  	s3 =	sld [smem:$0x3FFD];
	_ =	sdelay $0x3  }
0xe: {  	_ =	strace s3  }
0xf: {  	_ =	strace $0x8FFFFFFF  }
0x10: {  	s20 =	sld [smem:$0x3FDB];
	_ =	sdelay $0x1  }
0x11: {  	s4 =	simm.s32 $_scs_section_size  }
0x12: {  	s5 =	simm.s32 $_size__tile_overlayer_lowered;
	s6 =	simm.s32 $_tile_overlayer_lowered  }
0x13: {  	s23 =	simm.s32 $0x1BFF;
	s22 =	sshll.u32 s6, $0x1;
	s3 =	sadd.s32 s4, s20  }
0x14: {  	s7 =	simm.s32 $0x0;
	s21 =	sshll.u32 s5, $0x1;
	s5 =	sadd.s32 s22, s3  }
0x15: {  	[timem:s7], [sflag:s23] =	dma.local [hbm:s5], s21  }
0x16: {  	_ =	swait.ge [sflag:s23], s21  }
0x17: {  	s4 =	ssub.s32 $0x0, s21;
	[sflag:s23] =	ssyncset.done $0x0  }
0x18: {  	[sflag:s23] =	ssyncadd.s32 s4;
	_ =	sdelay $0x1  }
0x19: {  	s24 =	simm.s32 $0x1B8B  }
0x1a: {  	_ =	swait.ge [sflag:s24], $0x1  }
0x1b: {  	[sflag:s24] =	ssyncset.done $0x0  }
0x1c: {  	s26 =	simm.s32 $0x1B8E;
	s25 =	sld [smem:$0x3FFE];
	[sflag:s24] =	ssyncadd.s32 $0xFFFFFFFF  }
0x1d: {  	s27 =	simm.s32 $execute0_lowered;
	[smem:$0x3FD2] =	sst s26  }
0x1e: {  	s5 =	sshll.u32 s27, $0x1;
	_ =	strace $0x80000049;
	[dreg:$0x1] =	wrdreg $0xFFFFFFFF  }
0x1f: {  	s28 =	simm.s32 $_size_execute0_lowered;
	s3 =	sadd.s32 s3, s5;
	[dreg:$0x0] =	wrdreg $0x0  }
0x20: {  	s5 =	sshll.u32 s28, $0x1;
	[dreg:$0x2] =	wrdreg s3  }
0x21: {  	[dreg:$0x3] =	wrdreg s5  }
0x22: {  	[dreg:$0x4] =	wrdreg $0xC0  }
0x23: {  	_ =	task [dreg:s7], $0x5FFFF  }
0x24: {  	[dreg:$0x1] =	wrdreg $0xFFFFFFFF  }
0x25: {  	[dreg:$0x0] =	wrdreg $0x60  }
0x26: {  	[dreg:$0x2] =	wrdreg s25  }
0x27: {  	[dreg:$0x3] =	wrdreg s2  }
0x28: {  	[dreg:$0x4] =	wrdreg $0x9  }
0x29: {  	_ =	task.clear_ibuf [dreg:s7], $0x5FFFF;
	_ =	strace $0x90000049  }
0x2a: {  	s29 =	simm.s32 $0x9;
	_ =	strace $0x8000004B  }
0x2b: {  	_ =	swait.ge [sflag:s29], $0x1  }
0x2c: {  	[sflag:s29] =	ssyncadd.s32 $0xFFFFFFFF  }
0x2d: {  	_ =	strace $0x9000004B  }
0x2e: {  	_ =	sfence  }
0x2f: {  	s30 =	sld [smem:$0x0];
	_ =	sdelay $0x2  }
0x30: {  	s31 =	sshll.u32 s1, $0xD;
	s1 =	sshrl.u32 s1, $0x2  }
0x31: {  	s3 =	sand.u32 $0x4000, s31;
	s1 =	sadd.s32 s1, s30  }
0x32: {  	s0 =	sor.u32 s3, s0;
	s1 =	sshll.u32 s1, $0x11  }
0x33: {  	s0 =	sor.u32 s1, s0  }
0x34: {  	s0 =	sadd.s32 $0x8F2B, s0  }
0x35: {  	[sflag:s0] =	ssyncadd.remote.s32 $0x1  }
0x36: {  	_ =	sfence.sel $0xFFFF  }
0x37: {  	[dreg:$0x0] =	wrdreg $0xFFFFFFFF;
	(pc) =	sbr.abs _section_cstart, $3  }
0x38: {  	[dreg:$0x1] =	wrdreg $0xFFFFFFFF  }
0x39: {  	_ =	task.clear_ibuf [dreg:s7], $0x2FFFF;
	_ =	strace $0x9FFFFFFF  }
0x3a: {  	(tm) =	ssettm $0x7FFFFFFF  }
0x3b: {  	_ =	shalt  }
tec
execute0_lowered:
.L_overlay_start_1:
0x0: {  	(tag) =	ssettag $0x1  }
0x1: {  	s0 =	srdreg.scid  }
0x2: {  	s1 =	sshll.u32 s0, $0x4  }
0x3: {  	s0 =	stileid.u32;
	s1 =	sand.u32 $0x10, s1  }
0x4: {  	s1 =	sor.u32 s0, s1  }
0x5: {  	s6 =	rddreg [dreg:$0x0];
	s4 =	simm.s32 $0x1;
	s2 =	sshll.u32 s1, $0x7  }
0x6: {  	s7 =	simm.s32 $0x2;
	s12 =	simm.s32 $0x0;
	s1 =	ssub.s32 $0x1000, s2  }
0x7: {  	s8 =	simm.s32 $0x8000;
	s13 =	simm.s32 $0x0;
	s3 =	sand.u32 $0xF80, s1  }
0x8: {  	s9 =	simm.s32 $0x0;
	s5 =	sshrl.u32 s1, $0xC;
	p0 =	sne.s32 s3, $0x0  }
.Ltmp0:
0x9: {  	s1 =	rddreg [dreg:$0x2];
	s4 =	simm.s32 @!p0 $0x0;
	(pc) =	sbr.rel .LBB1_1-.Ltmp0, $4  }
0xa: {  	s11 =	simm.s32 $0x0;
	s3 =	rddreg [dreg:$0x1];
	s5 =	sadd.s32 s4, s5  }
0xb: {  	_ =	strace $0x8000004A;
	s4 =	simm.s32 $0x1;
	s5 =	smul.u32 $0xC8, s5  }
0xc: {  	s6 =	sadd.s32 $0xA00, s6;
	s10 =	smov.u32 s2;
	[sflag:s4] =	ssyncpa.u1 $0x0  }
0xd: {  	p0 =	por $0x0, $0x0;
	[sflag:s7] =	ssyncpa.u1 $0x0;
	s7 =	sor.u32 $0x1, s5  }
.LBB1_4:
0xe: {  	s16 =	sshll.u32 s13, $0x3;
	s17 =	sand.u32 $0x78, s13  }
0xf: {  	s30 =	sand.u32 $0x3E00, s13;
	s12 =	sshll.u32 s12, $0xE;
	s16 =	sand.u32 $0xC00, s16  }
0x10: {  	s31 =	sand.u32 $0x7, s13;
	s16 =	sor.u32 s17, s16;
	s17 =	sadd.s32 s3, s30  }
0x11: {  	s13 =	sshll.u32 s31, $0x12;
	s16 =	sshrl.u32 s16, $0x3;
	s12 =	sadd.s32 s12, s17  }
0x12: {  	[tilespmem:s15+$0x0 ss:$0x81] =	vst.msk $0xffff, v0;
	s13 =	sor.u32 $0x400, s13;
	s12 =	sadd.s32 s16, s12  }
0x13: {  	[hbm4b:s12+s13] =	stream.strided.scatter [tilespmem:s14], [sflag:$0x2], $0x1000, s8, s13, $0x20;
	[tilespmem:$0x4040] =	vst v63  }
.LBB1_5:
0x14: {  	s14 =	sadd.s32 $0x1, s9  }
0x15: {  	s12 =	sadd.s32 $0x1000, s10;
	s16 =	smov.u32 s10;
	p2 =	sgt.s32 s14, $0xC7  }
0x16: {  	s16 =	smov.u32 @p2 s12  }
0x17: {  	s14 =	simm.s32 @p2 $0x0;
	p2 =	sgt.s32 s16, $0xFFF  }
0x18: {  	s16 =	smov.u32 @p2 s2;
	p2 =	sne.s32 s11, s7  }
.Ltmp1:
0x19: {  	p1 =	slt.u32 s11, $0x2;
	(pc) =	sbr.rel @!p2 .LBB1_6-.Ltmp1, $4  }
0x1a: {  	s15 =	simm.s32 @!p1 $0x2  }
0x1b: {  	s13 =	smov.u32 s10;
	p0 =	por !p0, !p0;
	_ =	swait.ge @!p1 [sflag:s15], $0x1000  }
0x1c: {  	s12 =	smov.u32 s9;
	[sflag:s15] =	ssyncset.done @!p1 $0x0;
	s9 =	smov.u32 s14  }
0x1d: {  	s11 =	sadd.s32 $0x1, s11;
	[sflag:s15] =	ssyncadd.s32 @!p1 $0xFFFFF000;
	s10 =	smov.u32 s16  }
.LBB1_1:
0x1e: {  	p1 =	sge.u32 s11, s5  }
0x1f: {  	s14 =	sand.u32 @!p1 $0x1FFFFFF, s9  }
0x20: {  	s15 =	smulhi.u32 @!p1 $0x147AE15, s14;
	_ =	sdelay $0x1  }
0x21: {  	s15 =	smul.u32 @!p1 $0xC8, s15  }
0x22: {  	s16 =	sxor.u32 @!p1 $0xFFFFFFFF, s11;
	s17 =	smul.u32 @!p1 $0xC80, s10  }
0x23: {  	s31 =	sadd.s32 $0xFFFFFFFF, s11;
	s16 =	sshll.u32 @!p1 s16, $0xC;
	s14 =	ssub.s32 @!p1 s14, s15  }
0x24: {  	s15 =	sand.u32 @!p1 $0x1000, s16;
	s16 =	sadd.s32 @!p1 s6, s17;
	s14 =	sshll.u32 @!p1 s14, $0x4  }
0x25: {  	s17 =	simm.s32 @!p1 $0x6400;
	s14 =	sadd.s32 @!p1 s14, s16;
	s16 =	simm.s32 @!p1 $0x20  }
0x26: {  	[tilespmem:s15], [sflag:$0x1] =	stream.strided.gather @!p1 [hbm4b:s14+s16], $0x1000, s17, s16, $0x38;
	[tilespmem:$0x4040] =	vst v63  }
0x27: {  	p1 =	sge.u32 s31, s5  }
.Ltmp2:
0x28: {  	_ = 	snop;
	(pc) =	sbr.rel @p1 .LBB1_5-.Ltmp2, $1  }
0x29: {  	_ =	sdelay $0x3  }
0x2a: {  	s14 =	simm.s32 $0x1  }
0x2b: {  	_ =	swait.ge [sflag:s4], $0x1000;
	s14 =	simm.s32 @!p0 $0x0  }
0x2c: {  	[sflag:s4] =	ssyncset.done $0x0;
	s15 =	sshll.u32 s14, $0xC  }
0x2d: {  	[sflag:s4] =	ssyncadd.s32 $0xFFFFF000;
	s18 =	sor.u32 $0x10, s15  }
0x2e: {  	s14 =	smul.u32 $0x4080, s14;
	v1 =	vld [tilespmem:s18+$0x0]  }
0x2f: {  	s30 =	sand.u32 $0x1, s11;
	v0 =	vld [tilespmem:s18+$0xFFFFFFF0]  }
0x30: {  	s15 =	smul.u32 $0x4080, s30;
	s14 =	sshrl.u32 s14, $0x2  }
0x31: {  	s16 =	sor.u32 $0x2000, s14  }
0x32: {  	s31 =	sshrl.u32 s15, $0x2;
	s15 =	sadd.s32 $0x0, s16  }
0x33: {  	s17 =	simm.s32 $0x4;
	s18 =	sadd.s32 $0x20, s18;
	s14 =	sor.u32 $0x2000, s31;
	[tilespmem:s15+$0x810 ss:$0x81] =	vst.msk $0xffff, v1  }
.LBB1_3:
0x34: {  	v1 =	vld [tilespmem:s18+$0x0];
	p1 =	sne.s32 s17, $0x1FC;
	[tilespmem:s15+$0x0 ss:$0x81] =	vst.msk $0xffff, v0;
	s15 =	smov.u32 s17;
	s17 =	sadd.s32 $0x4, s17  }
.Ltmp3:
0x35: {  	v0 =	vld [tilespmem:s18+$0xFFFFFFF0];
	(pc) =	sbr.rel @p1 .LBB1_3-.Ltmp3, $4  }
0x36: {  	_ = 	snop  }
0x37: {  	s15 =	sshra.s32 s15, $0x2  }
0x38: {  	s15 =	sadd.s32 s15, s16  }
0x39: {  	s18 =	sadd.s32 $0x20, s18;
	[tilespmem:s15+$0x810 ss:$0x81] =	vst.msk $0xffff, v1  }
.Ltmp4:
0x3a: {  	_ = 	snop;
	(pc) =	sbr.rel .LBB1_4-.Ltmp4, $1  }
0x3b: {  	_ =	sdelay $0x3  }
.LBB1_6:
0x3c: {  	_ =	sfence.sel $0x180000  }
0x3d: {  	s2 =	simm.s32 $0x1;
	[bflag:$0x0] =	sbarrier.arrive $0xFFFF  }
0x3e: {  	s31 =	simm.s32 $0x2;
	[sflag:s2] =	ssyncpa.u1 $0x1  }
0x3f: {  	[sflag:s31] =	ssyncpa.u1 $0x1  }
0x40: {  	p0 =	sne.s32 s0, $0x0;
	_ =	strace $0x9000004A  }
0x41: {  	s0 =	sadd.s32 @!p0 $0x100000, s1;
	[bflag:$0x2] =	sbarrier.arrive $0xFFFF  }
0x42: {  	[sflag:s0] =	ssyncadd.tile.s32 @!p0 $0x1;
	_ =	shalt  }
.Lfunc_end1:
_tile_overlayer_lowered:
.L_overlay_start_2:
0x43: {  	(tag) =	ssettag $0x2  }
0x44: {  	s0 =	rddreg [dreg:$0x0];
	s2 =	stileid.u32  }
0x45: {  	s1 =	rddreg [dreg:$0x1];
	p0 =	sne.s32 s2, $0x0  }
0x46: {  	s3 =	rddreg [dreg:$0x2];
	[bflag:$0x3] =	sbarrier.arrive $0xFFFF;
	s2 =	simm.s32 @!p0 $0x1C01  }
0x47: {  	[timem:s3], [sflag:s2] =	dma.local @!p0 [hbm:s0], s1  }
0x48: {  	s0 =	simm.s32 @!p0 $0x1  }
0x49: {  	_ =	swait.ge @!p0 [sflag:s0], s1  }
0x4a: {  	s1 =	ssub.s32 @!p0 $0x0, s1;
	[sflag:s0] =	ssyncset.done @!p0 $0x0  }
0x4b: {  	[sflag:s0] =	ssyncadd.s32 @!p0 s1  }
0x4c: {  	[bflag:$0x3] =	sbarrier.arrive $0xFFFF  }
0x4d: {  	_ =	shalt  }

</sc_bundles>
